<compile_context>
chip_gen: v7x
topology: tpu7x:2x2x1
jax: 0.10.2.dev20260603
libtpu: 0.0.44.dev20260713+nightly
codegen_flags: <defaults>
</compile_context>

<pallas_src>
import functools

import jax
import jax.numpy as jnp
from jax import lax
from jax.experimental import pallas as pl
from jax.experimental.pallas import tpu as pltpu
from jax.experimental.pallas import tpu_sc as plsc

_IDXW = 128
_K = 2
_DP = 128


_PAD_BLK = 10000


def _pad_body(src_ref, dst_ref):
    blk = src_ref[...]
    dst_ref[:, : blk.shape[-1]] = blk


@functools.lru_cache(maxsize=None)
def _build_pad(V, D):
    return pl.pallas_call(
        _pad_body,
        grid=(V // _PAD_BLK,),
        in_specs=[pl.BlockSpec((_PAD_BLK, D), lambda i: (i, 0))],
        out_specs=pl.BlockSpec((_PAD_BLK, _DP), lambda i: (i, 0)),
        out_shape=jax.ShapeDtypeStruct((V, _DP), jnp.float32),
    )


@functools.lru_cache(maxsize=None)
def _build_gather(N, V, D):
    info = plsc.get_sparse_core_info()
    NC, NS = info.num_cores, info.num_subcores
    NW = NC * NS
    n_rows = N // _IDXW
    rows_per_w = n_rows // NW
    n_groups = rows_per_w // _K
    assert N % _IDXW == 0 and n_rows % NW == 0 and rows_per_w % _K == 0
    assert n_groups % 2 == 0

    mesh = plsc.VectorSubcoreMesh(core_axis_name="c", subcore_axis_name="s")

    @functools.partial(
        pl.kernel,
        out_type=jax.ShapeDtypeStruct((n_rows, _IDXW, _DP), jnp.float32),
        mesh=mesh,
        scratch_types=[
            pltpu.VMEM((2, _K, _IDXW), jnp.int32),
            pltpu.VMEM((2, _K, _IDXW, _DP), jnp.float32),
            pltpu.SemaphoreType.DMA,
            pltpu.SemaphoreType.DMA,
        ],
    )
    def k(idx_hbm, table_hbm, out_hbm, idx_v, rows_v, gsem, osem):
        wid = lax.axis_index("s") * NC + lax.axis_index("c")
        row_base = wid * rows_per_w

        def stage_and_fire(g, b):
            base = row_base + g * _K
            pltpu.sync_copy(idx_hbm.at[pl.ds(base, _K)], idx_v.at[b])
            for j in range(_K):
                pltpu.async_copy(
                    table_hbm.at[idx_v.at[b].at[j]],
                    rows_v.at[b].at[j],
                    gsem,
                )

        def drain_out(b):
            pltpu.make_async_copy(
                rows_v.at[b], out_hbm.at[pl.ds(row_base, _K)], osem
            ).wait()

        stage_and_fire(0, 0)

        def outer(g2, _):
            for b in range(2):
                g = g2 * 2 + b
                nb = 1 - b

                @pl.when(g + 1 < n_groups)
                def _():
                    @pl.when(g >= 1)
                    def _():
                        drain_out(nb)

                    stage_and_fire(g + 1, nb)

                base = row_base + g * _K
                pltpu.make_async_copy(
                    out_hbm.at[pl.ds(base, _K)], rows_v.at[b], gsem
                ).wait()
                pltpu.async_copy(rows_v.at[b], out_hbm.at[pl.ds(base, _K)], osem)
            return 0

        lax.fori_loop(0, n_groups // 2, outer, 0)
        drain_out(0)
        drain_out(1)

    return k


def kernel(X, wv):
    B, H = X.shape
    V, D = wv.shape
    N = B * H
    idx2d = X.reshape(N // _IDXW, _IDXW)
    wv_p = _build_pad(V, D)(wv)
    out = _build_gather(N, V, D)(idx2d, wv_p)
    return out[:, :, :D].reshape(B, H, D)

# --- scband reference (transcript-rebuilt; emitter-appended) ---
"""Pipeline reference for scband-glo-ve-9509057593822 (READ-ONLY COPY).

The authoritative reference and input builder live on the scoring server;
editing this copy changes nothing except your own understanding.
"""

import jax, jax.numpy as jnp
import numpy as np

VOCAB = 1000000
EMBED_DIM = 100
BATCH = 4096
HIST = 200

def setup_inputs(seed: int = 0) -> dict:
    key = jax.random.key(seed)
    k1, k2 = jax.random.split(key)
    X = jax.random.randint(k1, (BATCH, HIST), 0, VOCAB, dtype=jnp.int64 if jax.config.jax_enable_x64 else jnp.int32).astype(jnp.int32)
    wv = jax.random.normal(k2, (VOCAB, EMBED_DIM), dtype=jnp.float32) * 0.1
    return {"X": X, "wv": wv}

def reference(X, wv):
    # nn.Embedding.from_pretrained(wv)(X): row gather from the pretrained table
    return jnp.take(wv, X, axis=0)

if __name__ == "__main__":
    import jax
    _d = setup_inputs()
    print(jax.jit(kernel)(*tuple(_d.values())))

</pallas_src>

<mosaic_0001>
#map = affine_map<(d0, d1) -> (0, 0)>
#map1 = affine_map<(d0, d1) -> (0, 0, 0)>
module attributes {stable_mosaic.version = 14 : i64} {
  func.func @k(%arg0: i32, %arg1: i32, %arg2: memref<6400x128xi32, #tpu.memory_space<hbm>>, %arg3: memref<1000000x128xf32, #tpu.memory_space<hbm>>, %arg4: memref<6400x128x128xf32, #tpu.memory_space<hbm>>, %arg5: memref<2x2x128xi32, #tpu.memory_space<vmem>>, %arg6: memref<2x2x128x128xf32, #tpu.memory_space<vmem>>, %arg7: memref<!tpu.dma_semaphore, #tpu.memory_space<semaphore_mem>>, %arg8: memref<!tpu.dma_semaphore, #tpu.memory_space<semaphore_mem>>) attributes {dimension_semantics = [#tpu.dimension_semantics<core_parallel>, #tpu.dimension_semantics<subcore_parallel>], iteration_bounds = array<i64: 2, 16>, scalar_prefetch = 0 : i64, scratch_operands = 4 : i64, tpu.core_type = #tpu.core_type<sc_vector_subcore>, window_params = [{transform_indices = #map}, {transform_indices = #map}, {transform_indices = #map1}]} {
    %mul3A = arith.constant 2 : i32
    %mul3A_0 = arith.muli %arg1, %mul3A : i32
    %add3A = arith.addi %mul3A_0, %arg0 : i32
    %mul3A_1 = arith.constant 200 : i32
    %mul3A_2 = arith.muli %add3A, %mul3A_1 : i32
    %add3A_3 = arith.constant 0 : i32
    %add3A_4 = arith.addi %mul3A_2, %add3A_3 : i32
    %run_scoped3A = arith.constant 0 : i32
    "tpu.region"() ({
      %run_scoped3A_89 = tpu.sem_alloc : memref<!tpu.dma_semaphore, #tpu.memory_space<semaphore_mem>>
      %dma_start3A_90 = arith.constant 0 : i32
      %dma_start3A_91 = arith.constant 0 : i32
      %dma_start3A_92 = tpu.memref_slice %arg5[%run_scoped3A, %dma_start3A_90, %dma_start3A_91] : memref<2x2x128xi32, #tpu.memory_space<vmem>> -> memref<1x2x128xi32, #tpu.memory_space<vmem>>
      %dma_start3A_93 = tpu.memref_squeeze %dma_start3A_92 : memref<1x2x128xi32, #tpu.memory_space<vmem>> -> memref<2x128xi32, #tpu.memory_space<vmem>>
      %dma_start3A_94 = arith.constant 0 : i32
      %dma_start3A_95 = tpu.memref_slice %arg2[%add3A_4, %dma_start3A_94] : memref<6400x128xi32, #tpu.memory_space<hbm>> -> memref<2x128xi32, #tpu.memory_space<hbm>>
      %dma_start3A_96 = arith.constant 0 : i32
      %dma_start3A_97 = arith.constant 0 : i32
      %dma_start3A_98 = tpu.memref_slice %arg5[%run_scoped3A, %dma_start3A_96, %dma_start3A_97] : memref<2x2x128xi32, #tpu.memory_space<vmem>> -> memref<1x2x128xi32, #tpu.memory_space<vmem>>
      %dma_start3A_99 = tpu.memref_squeeze %dma_start3A_98 : memref<1x2x128xi32, #tpu.memory_space<vmem>> -> memref<2x128xi32, #tpu.memory_space<vmem>>
      %dma_start3A_100 = arith.constant 0 : i32
      %dma_start3A_101 = tpu.memref_slice %arg2[%add3A_4, %dma_start3A_100] : memref<6400x128xi32, #tpu.memory_space<hbm>> -> memref<2x128xi32, #tpu.memory_space<hbm>>
      tpu.enqueue_dma source(%dma_start3A_101 : memref<2x128xi32, #tpu.memory_space<hbm>>) target(%dma_start3A_99 : memref<2x128xi32, #tpu.memory_space<vmem>>) target_semaphore(%run_scoped3A_89 : memref<!tpu.dma_semaphore, #tpu.memory_space<semaphore_mem>>)
      %dma_wait3A_102 = arith.constant 0 : i32
      %dma_wait3A_103 = arith.constant 0 : i32
      %dma_wait3A_104 = tpu.memref_slice %arg5[%run_scoped3A, %dma_wait3A_102, %dma_wait3A_103] : memref<2x2x128xi32, #tpu.memory_space<vmem>> -> memref<1x2x128xi32, #tpu.memory_space<vmem>>
      %dma_wait3A_105 = tpu.memref_squeeze %dma_wait3A_104 : memref<1x2x128xi32, #tpu.memory_space<vmem>> -> memref<2x128xi32, #tpu.memory_space<vmem>>
      %dma_wait3A_106 = arith.constant 0 : i32
      %dma_wait3A_107 = tpu.memref_slice %arg2[%add3A_4, %dma_wait3A_106] : memref<6400x128xi32, #tpu.memory_space<hbm>> -> memref<2x128xi32, #tpu.memory_space<hbm>>
      %dma_wait3A_108 = arith.constant 0 : i32
      %dma_wait3A_109 = arith.constant 0 : i32
      %dma_wait3A_110 = tpu.memref_slice %arg5[%run_scoped3A, %dma_wait3A_108, %dma_wait3A_109] : memref<2x2x128xi32, #tpu.memory_space<vmem>> -> memref<1x2x128xi32, #tpu.memory_space<vmem>>
      %dma_wait3A_111 = tpu.memref_squeeze %dma_wait3A_110 : memref<1x2x128xi32, #tpu.memory_space<vmem>> -> memref<2x128xi32, #tpu.memory_space<vmem>>
      %dma_wait3A_112 = arith.constant 0 : i32
      %dma_wait3A_113 = tpu.memref_slice %arg2[%add3A_4, %dma_wait3A_112] : memref<6400x128xi32, #tpu.memory_space<hbm>> -> memref<2x128xi32, #tpu.memory_space<hbm>>
      tpu.wait_dma2 semaphore(%run_scoped3A_89 : memref<!tpu.dma_semaphore, #tpu.memory_space<semaphore_mem>>) src(%dma_wait3A_113 : memref<2x128xi32, #tpu.memory_space<hbm>>) dst(%dma_wait3A_111 : memref<2x128xi32, #tpu.memory_space<vmem>>)
      tpu.yield
    }) : () -> ()
    %dma_start3A = arith.constant 0 : i32
    %dma_start3A_5 = arith.constant 0 : i32
    %dma_start3A_6 = arith.constant 0 : i32
    %dma_start3A_7 = arith.constant 0 : i32
    %dma_start3A_8 = arith.constant 0 : i32
    %dma_start3A_9 = arith.constant 0 : i32
    %dma_start3A_10 = arith.constant 0 : i32
    %dma_start3A_11 = tpu.memref_slice %arg6[%dma_start3A_6, %dma_start3A_8, %dma_start3A_9, %dma_start3A_10] : memref<2x2x128x128xf32, #tpu.memory_space<vmem>> -> memref<1x2x128x128xf32, #tpu.memory_space<vmem>>
    %dma_start3A_12 = tpu.memref_squeeze %dma_start3A_11 : memref<1x2x128x128xf32, #tpu.memory_space<vmem>> -> memref<2x128x128xf32, #tpu.memory_space<vmem>>
    %dma_start3A_13 = arith.constant 0 : i32
    %dma_start3A_14 = arith.constant 0 : i32
    %dma_start3A_15 = tpu.memref_slice %dma_start3A_12[%dma_start3A_7, %dma_start3A_13, %dma_start3A_14] : memref<2x128x128xf32, #tpu.memory_space<vmem>> -> memref<1x128x128xf32, #tpu.memory_space<vmem>>
    %dma_start3A_16 = tpu.memref_squeeze %dma_start3A_15 : memref<1x128x128xf32, #tpu.memory_space<vmem>> -> memref<128x128xf32, #tpu.memory_space<vmem>>
    %dma_start3A_17 = arith.constant 0 : i32
    %dma_start3A_18 = arith.constant 0 : i32
    %dma_start3A_19 = tpu.memref_slice %arg5[%dma_start3A, %dma_start3A_17, %dma_start3A_18] : memref<2x2x128xi32, #tpu.memory_space<vmem>> -> memref<1x2x128xi32, #tpu.memory_space<vmem>>
    %dma_start3A_20 = tpu.memref_squeeze %dma_start3A_19 : memref<1x2x128xi32, #tpu.memory_space<vmem>> -> memref<2x128xi32, #tpu.memory_space<vmem>>
    %dma_start3A_21 = arith.constant 0 : i32
    %dma_start3A_22 = tpu.memref_slice %dma_start3A_20[%dma_start3A_5, %dma_start3A_21] : memref<2x128xi32, #tpu.memory_space<vmem>> -> memref<1x128xi32, #tpu.memory_space<vmem>>
    %dma_start3A_23 = tpu.memref_squeeze %dma_start3A_22 : memref<1x128xi32, #tpu.memory_space<vmem>> -> memref<128xi32, #tpu.memory_space<vmem>>
    %dma_start3A_24 = arith.constant 0 : i32
    %dma_start3A_25 = arith.constant 0 : i32
    %dma_start3A_26 = tpu.memref_slice %arg3[%dma_start3A_24, %dma_start3A_25] : memref<1000000x128xf32, #tpu.memory_space<hbm>> -> memref<1000000x128xf32, #tpu.memory_space<hbm>>
    tpu.enqueue_indirect_dma source(%dma_start3A_26 : memref<1000000x128xf32, #tpu.memory_space<hbm>>) target(%dma_start3A_16 : memref<128x128xf32, #tpu.memory_space<vmem>>) offsets(%dma_start3A_23 : memref<128xi32, #tpu.memory_space<vmem>>) semaphore(%arg7 : memref<!tpu.dma_semaphore, #tpu.memory_space<semaphore_mem>>)
    %dma_start3A_27 = arith.constant 0 : i32
    %dma_start3A_28 = arith.constant 1 : i32
    %dma_start3A_29 = arith.constant 0 : i32
    %dma_start3A_30 = arith.constant 1 : i32
    %dma_start3A_31 = arith.constant 0 : i32
    %dma_start3A_32 = arith.constant 0 : i32
    %dma_start3A_33 = arith.constant 0 : i32
    %dma_start3A_34 = tpu.memref_slice %arg6[%dma_start3A_29, %dma_start3A_31, %dma_start3A_32, %dma_start3A_33] : memref<2x2x128x128xf32, #tpu.memory_space<vmem>> -> memref<1x2x128x128xf32, #tpu.memory_space<vmem>>
    %dma_start3A_35 = tpu.memref_squeeze %dma_start3A_34 : memref<1x2x128x128xf32, #tpu.memory_space<vmem>> -> memref<2x128x128xf32, #tpu.memory_space<vmem>>
    %dma_start3A_36 = arith.constant 0 : i32
    %dma_start3A_37 = arith.constant 0 : i32
    %dma_start3A_38 = tpu.memref_slice %dma_start3A_35[%dma_start3A_30, %dma_start3A_36, %dma_start3A_37] : memref<2x128x128xf32, #tpu.memory_space<vmem>> -> memref<1x128x128xf32, #tpu.memory_space<vmem>>
    %dma_start3A_39 = tpu.memref_squeeze %dma_start3A_38 : memref<1x128x128xf32, #tpu.memory_space<vmem>> -> memref<128x128xf32, #tpu.memory_space<vmem>>
    %dma_start3A_40 = arith.constant 0 : i32
    %dma_start3A_41 = arith.constant 0 : i32
    %dma_start3A_42 = tpu.memref_slice %arg5[%dma_start3A_27, %dma_start3A_40, %dma_start3A_41] : memref<2x2x128xi32, #tpu.memory_space<vmem>> -> memref<1x2x128xi32, #tpu.memory_space<vmem>>
    %dma_start3A_43 = tpu.memref_squeeze %dma_start3A_42 : memref<1x2x128xi32, #tpu.memory_space<vmem>> -> memref<2x128xi32, #tpu.memory_space<vmem>>
    %dma_start3A_44 = arith.constant 0 : i32
    %dma_start3A_45 = tpu.memref_slice %dma_start3A_43[%dma_start3A_28, %dma_start3A_44] : memref<2x128xi32, #tpu.memory_space<vmem>> -> memref<1x128xi32, #tpu.memory_space<vmem>>
    %dma_start3A_46 = tpu.memref_squeeze %dma_start3A_45 : memref<1x128xi32, #tpu.memory_space<vmem>> -> memref<128xi32, #tpu.memory_space<vmem>>
    %dma_start3A_47 = arith.constant 0 : i32
    %dma_start3A_48 = arith.constant 0 : i32
    %dma_start3A_49 = tpu.memref_slice %arg3[%dma_start3A_47, %dma_start3A_48] : memref<1000000x128xf32, #tpu.memory_space<hbm>> -> memref<1000000x128xf32, #tpu.memory_space<hbm>>
    tpu.enqueue_indirect_dma source(%dma_start3A_49 : memref<1000000x128xf32, #tpu.memory_space<hbm>>) target(%dma_start3A_39 : memref<128x128xf32, #tpu.memory_space<vmem>>) offsets(%dma_start3A_46 : memref<128xi32, #tpu.memory_space<vmem>>) semaphore(%arg7 : memref<!tpu.dma_semaphore, #tpu.memory_space<semaphore_mem>>)
    %scan3A = arith.constant 0 : i32
    %scan3A_50 = arith.constant 0 : i32
    %scan3A_51 = arith.constant 50 : i32
    %scan3A_52 = arith.addi %scan3A_50, %scan3A_51 : i32
    %scan3A_53 = arith.constant 1 : i32
    %scan3A_54 = scf.for %scan3A_89 = %scan3A_50 to %scan3A_52 step %scan3A_53 iter_args(%scan3A_90 = %scan3A) -> (i32)  : i32 {
      %mul3A_91 = arith.constant 2 : i32
      %mul3A_92 = arith.muli %scan3A_89, %mul3A_91 : i32
      %add3A_93 = arith.constant 0 : i32
      %add3A_94 = arith.addi %mul3A_92, %add3A_93 : i32
      %add3A_95 = arith.constant 1 : i32
      %add3A_96 = arith.addi %add3A_94, %add3A_95 : i32
      %lt3A = arith.constant 100 : i32
      %lt3A_97 = arith.cmpi slt, %add3A_96, %lt3A : i32
      %convert_element_type3A = arith.extui %lt3A_97 : i1 to i32
      %cond3A = arith.constant 0 : i32
      %cond3A_98 = arith.cmpi ne, %convert_element_type3A, %cond3A : i32
      scf.if %cond3A_98 {
        %ge3A = arith.constant 1 : i32
        %ge3A_185 = arith.cmpi sge, %add3A_94, %ge3A : i32
        %convert_element_type3A_186 = arith.extui %ge3A_185 : i1 to i32
        %cond3A_187 = arith.constant 0 : i32
        %cond3A_188 = arith.cmpi ne, %convert_element_type3A_186, %cond3A_187 : i32
        scf.if %cond3A_188 {
          %dma_wait3A_241 = arith.constant 1 : i32
          %dma_wait3A_242 = arith.constant 0 : i32
          %dma_wait3A_243 = arith.constant 0 : i32
          %dma_wait3A_244 = arith.constant 0 : i32
          %dma_wait3A_245 = tpu.memref_slice %arg6[%dma_wait3A_241, %dma_wait3A_242, %dma_wait3A_243, %dma_wait3A_244] : memref<2x2x128x128xf32, #tpu.memory_space<vmem>> -> memref<1x2x128x128xf32, #tpu.memory_space<vmem>>
          %dma_wait3A_246 = tpu.memref_squeeze %dma_wait3A_245 : memref<1x2x128x128xf32, #tpu.memory_space<vmem>> -> memref<2x128x128xf32, #tpu.memory_space<vmem>>
          %dma_wait3A_247 = arith.constant 0 : i32
          %dma_wait3A_248 = arith.constant 0 : i32
          %dma_wait3A_249 = tpu.memref_slice %arg4[%mul3A_2, %dma_wait3A_247, %dma_wait3A_248] : memref<6400x128x128xf32, #tpu.memory_space<hbm>> -> memref<2x128x128xf32, #tpu.memory_space<hbm>>
          %dma_wait3A_250 = arith.constant 0 : i32
          %dma_wait3A_251 = arith.constant 0 : i32
          %dma_wait3A_252 = tpu.memref_slice %arg4[%mul3A_2, %dma_wait3A_250, %dma_wait3A_251] : memref<6400x128x128xf32, #tpu.memory_space<hbm>> -> memref<2x128x128xf32, #tpu.memory_space<hbm>>
          %dma_wait3A_253 = arith.constant 0 : i32
          %dma_wait3A_254 = arith.constant 0 : i32
          %dma_wait3A_255 = arith.constant 0 : i32
          %dma_wait3A_256 = tpu.memref_slice %arg6[%dma_wait3A_241, %dma_wait3A_253, %dma_wait3A_254, %dma_wait3A_255] : memref<2x2x128x128xf32, #tpu.memory_space<vmem>> -> memref<1x2x128x128xf32, #tpu.memory_space<vmem>>
          %dma_wait3A_257 = tpu.memref_squeeze %dma_wait3A_256 : memref<1x2x128x128xf32, #tpu.memory_space<vmem>> -> memref<2x128x128xf32, #tpu.memory_space<vmem>>
          tpu.wait_dma2 semaphore(%arg8 : memref<!tpu.dma_semaphore, #tpu.memory_space<semaphore_mem>>) src(%dma_wait3A_257 : memref<2x128x128xf32, #tpu.memory_space<vmem>>) dst(%dma_wait3A_252 : memref<2x128x128xf32, #tpu.memory_space<hbm>>)
        } else {
        }
        %add3A_189 = arith.constant 1 : i32
        %add3A_190 = arith.addi %add3A_94, %add3A_189 : i32
        %mul3A_191 = arith.constant 2 : i32
        %mul3A_192 = arith.muli %add3A_190, %mul3A_191 : i32
        %add3A_193 = arith.addi %mul3A_2, %mul3A_192 : i32
        %run_scoped3A_194 = arith.constant 1 : i32
        "tpu.region"() ({
          %run_scoped3A_241 = tpu.sem_alloc : memref<!tpu.dma_semaphore, #tpu.memory_space<semaphore_mem>>
          %dma_start3A_242 = arith.constant 0 : i32
          %dma_start3A_243 = arith.constant 0 : i32
          %dma_start3A_244 = tpu.memref_slice %arg5[%run_scoped3A_194, %dma_start3A_242, %dma_start3A_243] : memref<2x2x128xi32, #tpu.memory_space<vmem>> -> memref<1x2x128xi32, #tpu.memory_space<vmem>>
          %dma_start3A_245 = tpu.memref_squeeze %dma_start3A_244 : memref<1x2x128xi32, #tpu.memory_space<vmem>> -> memref<2x128xi32, #tpu.memory_space<vmem>>
          %dma_start3A_246 = arith.constant 0 : i32
          %dma_start3A_247 = tpu.memref_slice %arg2[%add3A_193, %dma_start3A_246] : memref<6400x128xi32, #tpu.memory_space<hbm>> -> memref<2x128xi32, #tpu.memory_space<hbm>>
          %dma_start3A_248 = arith.constant 0 : i32
          %dma_start3A_249 = arith.constant 0 : i32
          %dma_start3A_250 = tpu.memref_slice %arg5[%run_scoped3A_194, %dma_start3A_248, %dma_start3A_249] : memref<2x2x128xi32, #tpu.memory_space<vmem>> -> memref<1x2x128xi32, #tpu.memory_space<vmem>>
          %dma_start3A_251 = tpu.memref_squeeze %dma_start3A_250 : memref<1x2x128xi32, #tpu.memory_space<vmem>> -> memref<2x128xi32, #tpu.memory_space<vmem>>
          %dma_start3A_252 = arith.constant 0 : i32
          %dma_start3A_253 = tpu.memref_slice %arg2[%add3A_193, %dma_start3A_252] : memref<6400x128xi32, #tpu.memory_space<hbm>> -> memref<2x128xi32, #tpu.memory_space<hbm>>
          tpu.enqueue_dma source(%dma_start3A_253 : memref<2x128xi32, #tpu.memory_space<hbm>>) target(%dma_start3A_251 : memref<2x128xi32, #tpu.memory_space<vmem>>) target_semaphore(%run_scoped3A_241 : memref<!tpu.dma_semaphore, #tpu.memory_space<semaphore_mem>>)
          %dma_wait3A_254 = arith.constant 0 : i32
          %dma_wait3A_255 = arith.constant 0 : i32
          %dma_wait3A_256 = tpu.memref_slice %arg5[%run_scoped3A_194, %dma_wait3A_254, %dma_wait3A_255] : memref<2x2x128xi32, #tpu.memory_space<vmem>> -> memref<1x2x128xi32, #tpu.memory_space<vmem>>
          %dma_wait3A_257 = tpu.memref_squeeze %dma_wait3A_256 : memref<1x2x128xi32, #tpu.memory_space<vmem>> -> memref<2x128xi32, #tpu.memory_space<vmem>>
          %dma_wait3A_258 = arith.constant 0 : i32
          %dma_wait3A_259 = tpu.memref_slice %arg2[%add3A_193, %dma_wait3A_258] : memref<6400x128xi32, #tpu.memory_space<hbm>> -> memref<2x128xi32, #tpu.memory_space<hbm>>
          %dma_wait3A_260 = arith.constant 0 : i32
          %dma_wait3A_261 = arith.constant 0 : i32
          %dma_wait3A_262 = tpu.memref_slice %arg5[%run_scoped3A_194, %dma_wait3A_260, %dma_wait3A_261] : memref<2x2x128xi32, #tpu.memory_space<vmem>> -> memref<1x2x128xi32, #tpu.memory_space<vmem>>
          %dma_wait3A_263 = tpu.memref_squeeze %dma_wait3A_262 : memref<1x2x128xi32, #tpu.memory_space<vmem>> -> memref<2x128xi32, #tpu.memory_space<vmem>>
          %dma_wait3A_264 = arith.constant 0 : i32
          %dma_wait3A_265 = tpu.memref_slice %arg2[%add3A_193, %dma_wait3A_264] : memref<6400x128xi32, #tpu.memory_space<hbm>> -> memref<2x128xi32, #tpu.memory_space<hbm>>
          tpu.wait_dma2 semaphore(%run_scoped3A_241 : memref<!tpu.dma_semaphore, #tpu.memory_space<semaphore_mem>>) src(%dma_wait3A_265 : memref<2x128xi32, #tpu.memory_space<hbm>>) dst(%dma_wait3A_263 : memref<2x128xi32, #tpu.memory_space<vmem>>)
          tpu.yield
        }) : () -> ()
        %dma_start3A_195 = arith.constant 1 : i32
        %dma_start3A_196 = arith.constant 0 : i32
        %dma_start3A_197 = arith.constant 1 : i32
        %dma_start3A_198 = arith.constant 0 : i32
        %dma_start3A_199 = arith.constant 0 : i32
        %dma_start3A_200 = arith.constant 0 : i32
        %dma_start3A_201 = arith.constant 0 : i32
        %dma_start3A_202 = tpu.memref_slice %arg6[%dma_start3A_197, %dma_start3A_199, %dma_start3A_200, %dma_start3A_201] : memref<2x2x128x128xf32, #tpu.memory_space<vmem>> -> memref<1x2x128x128xf32, #tpu.memory_space<vmem>>
        %dma_start3A_203 = tpu.memref_squeeze %dma_start3A_202 : memref<1x2x128x128xf32, #tpu.memory_space<vmem>> -> memref<2x128x128xf32, #tpu.memory_space<vmem>>
        %dma_start3A_204 = arith.constant 0 : i32
        %dma_start3A_205 = arith.constant 0 : i32
        %dma_start3A_206 = tpu.memref_slice %dma_start3A_203[%dma_start3A_198, %dma_start3A_204, %dma_start3A_205] : memref<2x128x128xf32, #tpu.memory_space<vmem>> -> memref<1x128x128xf32, #tpu.memory_space<vmem>>
        %dma_start3A_207 = tpu.memref_squeeze %dma_start3A_206 : memref<1x128x128xf32, #tpu.memory_space<vmem>> -> memref<128x128xf32, #tpu.memory_space<vmem>>
        %dma_start3A_208 = arith.constant 0 : i32
        %dma_start3A_209 = arith.constant 0 : i32
        %dma_start3A_210 = tpu.memref_slice %arg5[%dma_start3A_195, %dma_start3A_208, %dma_start3A_209] : memref<2x2x128xi32, #tpu.memory_space<vmem>> -> memref<1x2x128xi32, #tpu.memory_space<vmem>>
        %dma_start3A_211 = tpu.memref_squeeze %dma_start3A_210 : memref<1x2x128xi32, #tpu.memory_space<vmem>> -> memref<2x128xi32, #tpu.memory_space<vmem>>
        %dma_start3A_212 = arith.constant 0 : i32
        %dma_start3A_213 = tpu.memref_slice %dma_start3A_211[%dma_start3A_196, %dma_start3A_212] : memref<2x128xi32, #tpu.memory_space<vmem>> -> memref<1x128xi32, #tpu.memory_space<vmem>>
        %dma_start3A_214 = tpu.memref_squeeze %dma_start3A_213 : memref<1x128xi32, #tpu.memory_space<vmem>> -> memref<128xi32, #tpu.memory_space<vmem>>
        %dma_start3A_215 = arith.constant 0 : i32
        %dma_start3A_216 = arith.constant 0 : i32
        %dma_start3A_217 = tpu.memref_slice %arg3[%dma_start3A_215, %dma_start3A_216] : memref<1000000x128xf32, #tpu.memory_space<hbm>> -> memref<1000000x128xf32, #tpu.memory_space<hbm>>
        tpu.enqueue_indirect_dma source(%dma_start3A_217 : memref<1000000x128xf32, #tpu.memory_space<hbm>>) target(%dma_start3A_207 : memref<128x128xf32, #tpu.memory_space<vmem>>) offsets(%dma_start3A_214 : memref<128xi32, #tpu.memory_space<vmem>>) semaphore(%arg7 : memref<!tpu.dma_semaphore, #tpu.memory_space<semaphore_mem>>)
        %dma_start3A_218 = arith.constant 1 : i32
        %dma_start3A_219 = arith.constant 1 : i32
        %dma_start3A_220 = arith.constant 1 : i32
        %dma_start3A_221 = arith.constant 1 : i32
        %dma_start3A_222 = arith.constant 0 : i32
        %dma_start3A_223 = arith.constant 0 : i32
        %dma_start3A_224 = arith.constant 0 : i32
        %dma_start3A_225 = tpu.memref_slice %arg6[%dma_start3A_220, %dma_start3A_222, %dma_start3A_223, %dma_start3A_224] : memref<2x2x128x128xf32, #tpu.memory_space<vmem>> -> memref<1x2x128x128xf32, #tpu.memory_space<vmem>>
        %dma_start3A_226 = tpu.memref_squeeze %dma_start3A_225 : memref<1x2x128x128xf32, #tpu.memory_space<vmem>> -> memref<2x128x128xf32, #tpu.memory_space<vmem>>
        %dma_start3A_227 = arith.constant 0 : i32
        %dma_start3A_228 = arith.constant 0 : i32
        %dma_start3A_229 = tpu.memref_slice %dma_start3A_226[%dma_start3A_221, %dma_start3A_227, %dma_start3A_228] : memref<2x128x128xf32, #tpu.memory_space<vmem>> -> memref<1x128x128xf32, #tpu.memory_space<vmem>>
        %dma_start3A_230 = tpu.memref_squeeze %dma_start3A_229 : memref<1x128x128xf32, #tpu.memory_space<vmem>> -> memref<128x128xf32, #tpu.memory_space<vmem>>
        %dma_start3A_231 = arith.constant 0 : i32
        %dma_start3A_232 = arith.constant 0 : i32
        %dma_start3A_233 = tpu.memref_slice %arg5[%dma_start3A_218, %dma_start3A_231, %dma_start3A_232] : memref<2x2x128xi32, #tpu.memory_space<vmem>> -> memref<1x2x128xi32, #tpu.memory_space<vmem>>
        %dma_start3A_234 = tpu.memref_squeeze %dma_start3A_233 : memref<1x2x128xi32, #tpu.memory_space<vmem>> -> memref<2x128xi32, #tpu.memory_space<vmem>>
        %dma_start3A_235 = arith.constant 0 : i32
        %dma_start3A_236 = tpu.memref_slice %dma_start3A_234[%dma_start3A_219, %dma_start3A_235] : memref<2x128xi32, #tpu.memory_space<vmem>> -> memref<1x128xi32, #tpu.memory_space<vmem>>
        %dma_start3A_237 = tpu.memref_squeeze %dma_start3A_236 : memref<1x128xi32, #tpu.memory_space<vmem>> -> memref<128xi32, #tpu.memory_space<vmem>>
        %dma_start3A_238 = arith.constant 0 : i32
        %dma_start3A_239 = arith.constant 0 : i32
        %dma_start3A_240 = tpu.memref_slice %arg3[%dma_start3A_238, %dma_start3A_239] : memref<1000000x128xf32, #tpu.memory_space<hbm>> -> memref<1000000x128xf32, #tpu.memory_space<hbm>>
        tpu.enqueue_indirect_dma source(%dma_start3A_240 : memref<1000000x128xf32, #tpu.memory_space<hbm>>) target(%dma_start3A_230 : memref<128x128xf32, #tpu.memory_space<vmem>>) offsets(%dma_start3A_237 : memref<128xi32, #tpu.memory_space<vmem>>) semaphore(%arg7 : memref<!tpu.dma_semaphore, #tpu.memory_space<semaphore_mem>>)
      } else {
      }
      %mul3A_99 = arith.constant 2 : i32
      %mul3A_100 = arith.muli %add3A_94, %mul3A_99 : i32
      %add3A_101 = arith.addi %mul3A_2, %mul3A_100 : i32
      %dma_wait3A_102 = arith.constant 0 : i32
      %dma_wait3A_103 = arith.constant 0 : i32
      %dma_wait3A_104 = arith.constant 0 : i32
      %dma_wait3A_105 = arith.constant 0 : i32
      %dma_wait3A_106 = tpu.memref_slice %arg6[%dma_wait3A_102, %dma_wait3A_103, %dma_wait3A_104, %dma_wait3A_105] : memref<2x2x128x128xf32, #tpu.memory_space<vmem>> -> memref<1x2x128x128xf32, #tpu.memory_space<vmem>>
      %dma_wait3A_107 = tpu.memref_squeeze %dma_wait3A_106 : memref<1x2x128x128xf32, #tpu.memory_space<vmem>> -> memref<2x128x128xf32, #tpu.memory_space<vmem>>
      %dma_wait3A_108 = arith.constant 0 : i32
      %dma_wait3A_109 = arith.constant 0 : i32
      %dma_wait3A_110 = tpu.memref_slice %arg4[%add3A_101, %dma_wait3A_108, %dma_wait3A_109] : memref<6400x128x128xf32, #tpu.memory_space<hbm>> -> memref<2x128x128xf32, #tpu.memory_space<hbm>>
      %dma_wait3A_111 = arith.constant 0 : i32
      %dma_wait3A_112 = arith.constant 0 : i32
      %dma_wait3A_113 = arith.constant 0 : i32
      %dma_wait3A_114 = tpu.memref_slice %arg6[%dma_wait3A_102, %dma_wait3A_111, %dma_wait3A_112, %dma_wait3A_113] : memref<2x2x128x128xf32, #tpu.memory_space<vmem>> -> memref<1x2x128x128xf32, #tpu.memory_space<vmem>>
      %dma_wait3A_115 = tpu.memref_squeeze %dma_wait3A_114 : memref<1x2x128x128xf32, #tpu.memory_space<vmem>> -> memref<2x128x128xf32, #tpu.memory_space<vmem>>
      %dma_wait3A_116 = arith.constant 0 : i32
      %dma_wait3A_117 = arith.constant 0 : i32
      %dma_wait3A_118 = tpu.memref_slice %arg4[%add3A_101, %dma_wait3A_116, %dma_wait3A_117] : memref<6400x128x128xf32, #tpu.memory_space<hbm>> -> memref<2x128x128xf32, #tpu.memory_space<hbm>>
      tpu.wait_dma2 semaphore(%arg7 : memref<!tpu.dma_semaphore, #tpu.memory_space<semaphore_mem>>) src(%dma_wait3A_118 : memref<2x128x128xf32, #tpu.memory_space<hbm>>) dst(%dma_wait3A_115 : memref<2x128x128xf32, #tpu.memory_space<vmem>>)
      %dma_start3A_119 = arith.constant 0 : i32
      %dma_start3A_120 = arith.constant 0 : i32
      %dma_start3A_121 = arith.constant 0 : i32
      %dma_start3A_122 = arith.constant 0 : i32
      %dma_start3A_123 = tpu.memref_slice %arg6[%dma_start3A_119, %dma_start3A_120, %dma_start3A_121, %dma_start3A_122] : memref<2x2x128x128xf32, #tpu.memory_space<vmem>> -> memref<1x2x128x128xf32, #tpu.memory_space<vmem>>
      %dma_start3A_124 = tpu.memref_squeeze %dma_start3A_123 : memref<1x2x128x128xf32, #tpu.memory_space<vmem>> -> memref<2x128x128xf32, #tpu.memory_space<vmem>>
      %dma_start3A_125 = arith.constant 0 : i32
      %dma_start3A_126 = arith.constant 0 : i32
      %dma_start3A_127 = tpu.memref_slice %arg4[%add3A_101, %dma_start3A_125, %dma_start3A_126] : memref<6400x128x128xf32, #tpu.memory_space<hbm>> -> memref<2x128x128xf32, #tpu.memory_space<hbm>>
      %dma_start3A_128 = arith.constant 0 : i32
      %dma_start3A_129 = arith.constant 0 : i32
      %dma_start3A_130 = tpu.memref_slice %arg4[%add3A_101, %dma_start3A_128, %dma_start3A_129] : memref<6400x128x128xf32, #tpu.memory_space<hbm>> -> memref<2x128x128xf32, #tpu.memory_space<hbm>>
      %dma_start3A_131 = arith.constant 0 : i32
      %dma_start3A_132 = arith.constant 0 : i32
      %dma_start3A_133 = arith.constant 0 : i32
      %dma_start3A_134 = tpu.memref_slice %arg6[%dma_start3A_119, %dma_start3A_131, %dma_start3A_132, %dma_start3A_133] : memref<2x2x128x128xf32, #tpu.memory_space<vmem>> -> memref<1x2x128x128xf32, #tpu.memory_space<vmem>>
      %dma_start3A_135 = tpu.memref_squeeze %dma_start3A_134 : memref<1x2x128x128xf32, #tpu.memory_space<vmem>> -> memref<2x128x128xf32, #tpu.memory_space<vmem>>
      tpu.enqueue_dma source(%dma_start3A_135 : memref<2x128x128xf32, #tpu.memory_space<vmem>>) target(%dma_start3A_130 : memref<2x128x128xf32, #tpu.memory_space<hbm>>) target_semaphore(%arg8 : memref<!tpu.dma_semaphore, #tpu.memory_space<semaphore_mem>>)
      %mul3A_136 = arith.constant 2 : i32
      %mul3A_137 = arith.muli %scan3A_89, %mul3A_136 : i32
      %add3A_138 = arith.constant 1 : i32
      %add3A_139 = arith.addi %mul3A_137, %add3A_138 : i32
      %add3A_140 = arith.constant 1 : i32
      %add3A_141 = arith.addi %add3A_139, %add3A_140 : i32
      %lt3A_142 = arith.constant 100 : i32
      %lt3A_143 = arith.cmpi slt, %add3A_141, %lt3A_142 : i32
      %convert_element_type3A_144 = arith.extui %lt3A_143 : i1 to i32
      %cond3A_145 = arith.constant 0 : i32
      %cond3A_146 = arith.cmpi ne, %convert_element_type3A_144, %cond3A_145 : i32
      scf.if %cond3A_146 {
        %ge3A = arith.constant 1 : i32
        %ge3A_185 = arith.cmpi sge, %add3A_139, %ge3A : i32
        %convert_element_type3A_186 = arith.extui %ge3A_185 : i1 to i32
        %cond3A_187 = arith.constant 0 : i32
        %cond3A_188 = arith.cmpi ne, %convert_element_type3A_186, %cond3A_187 : i32
        scf.if %cond3A_188 {
          %dma_wait3A_241 = arith.constant 0 : i32
          %dma_wait3A_242 = arith.constant 0 : i32
          %dma_wait3A_243 = arith.constant 0 : i32
          %dma_wait3A_244 = arith.constant 0 : i32
          %dma_wait3A_245 = tpu.memref_slice %arg6[%dma_wait3A_241, %dma_wait3A_242, %dma_wait3A_243, %dma_wait3A_244] : memref<2x2x128x128xf32, #tpu.memory_space<vmem>> -> memref<1x2x128x128xf32, #tpu.memory_space<vmem>>
          %dma_wait3A_246 = tpu.memref_squeeze %dma_wait3A_245 : memref<1x2x128x128xf32, #tpu.memory_space<vmem>> -> memref<2x128x128xf32, #tpu.memory_space<vmem>>
          %dma_wait3A_247 = arith.constant 0 : i32
          %dma_wait3A_248 = arith.constant 0 : i32
          %dma_wait3A_249 = tpu.memref_slice %arg4[%mul3A_2, %dma_wait3A_247, %dma_wait3A_248] : memref<6400x128x128xf32, #tpu.memory_space<hbm>> -> memref<2x128x128xf32, #tpu.memory_space<hbm>>
          %dma_wait3A_250 = arith.constant 0 : i32
          %dma_wait3A_251 = arith.constant 0 : i32
          %dma_wait3A_252 = tpu.memref_slice %arg4[%mul3A_2, %dma_wait3A_250, %dma_wait3A_251] : memref<6400x128x128xf32, #tpu.memory_space<hbm>> -> memref<2x128x128xf32, #tpu.memory_space<hbm>>
          %dma_wait3A_253 = arith.constant 0 : i32
          %dma_wait3A_254 = arith.constant 0 : i32
          %dma_wait3A_255 = arith.constant 0 : i32
          %dma_wait3A_256 = tpu.memref_slice %arg6[%dma_wait3A_241, %dma_wait3A_253, %dma_wait3A_254, %dma_wait3A_255] : memref<2x2x128x128xf32, #tpu.memory_space<vmem>> -> memref<1x2x128x128xf32, #tpu.memory_space<vmem>>
          %dma_wait3A_257 = tpu.memref_squeeze %dma_wait3A_256 : memref<1x2x128x128xf32, #tpu.memory_space<vmem>> -> memref<2x128x128xf32, #tpu.memory_space<vmem>>
          tpu.wait_dma2 semaphore(%arg8 : memref<!tpu.dma_semaphore, #tpu.memory_space<semaphore_mem>>) src(%dma_wait3A_257 : memref<2x128x128xf32, #tpu.memory_space<vmem>>) dst(%dma_wait3A_252 : memref<2x128x128xf32, #tpu.memory_space<hbm>>)
        } else {
        }
        %add3A_189 = arith.constant 1 : i32
        %add3A_190 = arith.addi %add3A_139, %add3A_189 : i32
        %mul3A_191 = arith.constant 2 : i32
        %mul3A_192 = arith.muli %add3A_190, %mul3A_191 : i32
        %add3A_193 = arith.addi %mul3A_2, %mul3A_192 : i32
        %run_scoped3A_194 = arith.constant 0 : i32
        "tpu.region"() ({
          %run_scoped3A_241 = tpu.sem_alloc : memref<!tpu.dma_semaphore, #tpu.memory_space<semaphore_mem>>
          %dma_start3A_242 = arith.constant 0 : i32
          %dma_start3A_243 = arith.constant 0 : i32
          %dma_start3A_244 = tpu.memref_slice %arg5[%run_scoped3A_194, %dma_start3A_242, %dma_start3A_243] : memref<2x2x128xi32, #tpu.memory_space<vmem>> -> memref<1x2x128xi32, #tpu.memory_space<vmem>>
          %dma_start3A_245 = tpu.memref_squeeze %dma_start3A_244 : memref<1x2x128xi32, #tpu.memory_space<vmem>> -> memref<2x128xi32, #tpu.memory_space<vmem>>
          %dma_start3A_246 = arith.constant 0 : i32
          %dma_start3A_247 = tpu.memref_slice %arg2[%add3A_193, %dma_start3A_246] : memref<6400x128xi32, #tpu.memory_space<hbm>> -> memref<2x128xi32, #tpu.memory_space<hbm>>
          %dma_start3A_248 = arith.constant 0 : i32
          %dma_start3A_249 = arith.constant 0 : i32
          %dma_start3A_250 = tpu.memref_slice %arg5[%run_scoped3A_194, %dma_start3A_248, %dma_start3A_249] : memref<2x2x128xi32, #tpu.memory_space<vmem>> -> memref<1x2x128xi32, #tpu.memory_space<vmem>>
          %dma_start3A_251 = tpu.memref_squeeze %dma_start3A_250 : memref<1x2x128xi32, #tpu.memory_space<vmem>> -> memref<2x128xi32, #tpu.memory_space<vmem>>
          %dma_start3A_252 = arith.constant 0 : i32
          %dma_start3A_253 = tpu.memref_slice %arg2[%add3A_193, %dma_start3A_252] : memref<6400x128xi32, #tpu.memory_space<hbm>> -> memref<2x128xi32, #tpu.memory_space<hbm>>
          tpu.enqueue_dma source(%dma_start3A_253 : memref<2x128xi32, #tpu.memory_space<hbm>>) target(%dma_start3A_251 : memref<2x128xi32, #tpu.memory_space<vmem>>) target_semaphore(%run_scoped3A_241 : memref<!tpu.dma_semaphore, #tpu.memory_space<semaphore_mem>>)
          %dma_wait3A_254 = arith.constant 0 : i32
          %dma_wait3A_255 = arith.constant 0 : i32
          %dma_wait3A_256 = tpu.memref_slice %arg5[%run_scoped3A_194, %dma_wait3A_254, %dma_wait3A_255] : memref<2x2x128xi32, #tpu.memory_space<vmem>> -> memref<1x2x128xi32, #tpu.memory_space<vmem>>
          %dma_wait3A_257 = tpu.memref_squeeze %dma_wait3A_256 : memref<1x2x128xi32, #tpu.memory_space<vmem>> -> memref<2x128xi32, #tpu.memory_space<vmem>>
          %dma_wait3A_258 = arith.constant 0 : i32
          %dma_wait3A_259 = tpu.memref_slice %arg2[%add3A_193, %dma_wait3A_258] : memref<6400x128xi32, #tpu.memory_space<hbm>> -> memref<2x128xi32, #tpu.memory_space<hbm>>
          %dma_wait3A_260 = arith.constant 0 : i32
          %dma_wait3A_261 = arith.constant 0 : i32
          %dma_wait3A_262 = tpu.memref_slice %arg5[%run_scoped3A_194, %dma_wait3A_260, %dma_wait3A_261] : memref<2x2x128xi32, #tpu.memory_space<vmem>> -> memref<1x2x128xi32, #tpu.memory_space<vmem>>
          %dma_wait3A_263 = tpu.memref_squeeze %dma_wait3A_262 : memref<1x2x128xi32, #tpu.memory_space<vmem>> -> memref<2x128xi32, #tpu.memory_space<vmem>>
          %dma_wait3A_264 = arith.constant 0 : i32
          %dma_wait3A_265 = tpu.memref_slice %arg2[%add3A_193, %dma_wait3A_264] : memref<6400x128xi32, #tpu.memory_space<hbm>> -> memref<2x128xi32, #tpu.memory_space<hbm>>
          tpu.wait_dma2 semaphore(%run_scoped3A_241 : memref<!tpu.dma_semaphore, #tpu.memory_space<semaphore_mem>>) src(%dma_wait3A_265 : memref<2x128xi32, #tpu.memory_space<hbm>>) dst(%dma_wait3A_263 : memref<2x128xi32, #tpu.memory_space<vmem>>)
          tpu.yield
        }) : () -> ()
        %dma_start3A_195 = arith.constant 0 : i32
        %dma_start3A_196 = arith.constant 0 : i32
        %dma_start3A_197 = arith.constant 0 : i32
        %dma_start3A_198 = arith.constant 0 : i32
        %dma_start3A_199 = arith.constant 0 : i32
        %dma_start3A_200 = arith.constant 0 : i32
        %dma_start3A_201 = arith.constant 0 : i32
        %dma_start3A_202 = tpu.memref_slice %arg6[%dma_start3A_197, %dma_start3A_199, %dma_start3A_200, %dma_start3A_201] : memref<2x2x128x128xf32, #tpu.memory_space<vmem>> -> memref<1x2x128x128xf32, #tpu.memory_space<vmem>>
        %dma_start3A_203 = tpu.memref_squeeze %dma_start3A_202 : memref<1x2x128x128xf32, #tpu.memory_space<vmem>> -> memref<2x128x128xf32, #tpu.memory_space<vmem>>
        %dma_start3A_204 = arith.constant 0 : i32
        %dma_start3A_205 = arith.constant 0 : i32
        %dma_start3A_206 = tpu.memref_slice %dma_start3A_203[%dma_start3A_198, %dma_start3A_204, %dma_start3A_205] : memref<2x128x128xf32, #tpu.memory_space<vmem>> -> memref<1x128x128xf32, #tpu.memory_space<vmem>>
        %dma_start3A_207 = tpu.memref_squeeze %dma_start3A_206 : memref<1x128x128xf32, #tpu.memory_space<vmem>> -> memref<128x128xf32, #tpu.memory_space<vmem>>
        %dma_start3A_208 = arith.constant 0 : i32
        %dma_start3A_209 = arith.constant 0 : i32
        %dma_start3A_210 = tpu.memref_slice %arg5[%dma_start3A_195, %dma_start3A_208, %dma_start3A_209] : memref<2x2x128xi32, #tpu.memory_space<vmem>> -> memref<1x2x128xi32, #tpu.memory_space<vmem>>
        %dma_start3A_211 = tpu.memref_squeeze %dma_start3A_210 : memref<1x2x128xi32, #tpu.memory_space<vmem>> -> memref<2x128xi32, #tpu.memory_space<vmem>>
        %dma_start3A_212 = arith.constant 0 : i32
        %dma_start3A_213 = tpu.memref_slice %dma_start3A_211[%dma_start3A_196, %dma_start3A_212] : memref<2x128xi32, #tpu.memory_space<vmem>> -> memref<1x128xi32, #tpu.memory_space<vmem>>
        %dma_start3A_214 = tpu.memref_squeeze %dma_start3A_213 : memref<1x128xi32, #tpu.memory_space<vmem>> -> memref<128xi32, #tpu.memory_space<vmem>>
        %dma_start3A_215 = arith.constant 0 : i32
        %dma_start3A_216 = arith.constant 0 : i32
        %dma_start3A_217 = tpu.memref_slice %arg3[%dma_start3A_215, %dma_start3A_216] : memref<1000000x128xf32, #tpu.memory_space<hbm>> -> memref<1000000x128xf32, #tpu.memory_space<hbm>>
        tpu.enqueue_indirect_dma source(%dma_start3A_217 : memref<1000000x128xf32, #tpu.memory_space<hbm>>) target(%dma_start3A_207 : memref<128x128xf32, #tpu.memory_space<vmem>>) offsets(%dma_start3A_214 : memref<128xi32, #tpu.memory_space<vmem>>) semaphore(%arg7 : memref<!tpu.dma_semaphore, #tpu.memory_space<semaphore_mem>>)
        %dma_start3A_218 = arith.constant 0 : i32
        %dma_start3A_219 = arith.constant 1 : i32
        %dma_start3A_220 = arith.constant 0 : i32
        %dma_start3A_221 = arith.constant 1 : i32
        %dma_start3A_222 = arith.constant 0 : i32
        %dma_start3A_223 = arith.constant 0 : i32
        %dma_start3A_224 = arith.constant 0 : i32
        %dma_start3A_225 = tpu.memref_slice %arg6[%dma_start3A_220, %dma_start3A_222, %dma_start3A_223, %dma_start3A_224] : memref<2x2x128x128xf32, #tpu.memory_space<vmem>> -> memref<1x2x128x128xf32, #tpu.memory_space<vmem>>
        %dma_start3A_226 = tpu.memref_squeeze %dma_start3A_225 : memref<1x2x128x128xf32, #tpu.memory_space<vmem>> -> memref<2x128x128xf32, #tpu.memory_space<vmem>>
        %dma_start3A_227 = arith.constant 0 : i32
        %dma_start3A_228 = arith.constant 0 : i32
        %dma_start3A_229 = tpu.memref_slice %dma_start3A_226[%dma_start3A_221, %dma_start3A_227, %dma_start3A_228] : memref<2x128x128xf32, #tpu.memory_space<vmem>> -> memref<1x128x128xf32, #tpu.memory_space<vmem>>
        %dma_start3A_230 = tpu.memref_squeeze %dma_start3A_229 : memref<1x128x128xf32, #tpu.memory_space<vmem>> -> memref<128x128xf32, #tpu.memory_space<vmem>>
        %dma_start3A_231 = arith.constant 0 : i32
        %dma_start3A_232 = arith.constant 0 : i32
        %dma_start3A_233 = tpu.memref_slice %arg5[%dma_start3A_218, %dma_start3A_231, %dma_start3A_232] : memref<2x2x128xi32, #tpu.memory_space<vmem>> -> memref<1x2x128xi32, #tpu.memory_space<vmem>>
        %dma_start3A_234 = tpu.memref_squeeze %dma_start3A_233 : memref<1x2x128xi32, #tpu.memory_space<vmem>> -> memref<2x128xi32, #tpu.memory_space<vmem>>
        %dma_start3A_235 = arith.constant 0 : i32
        %dma_start3A_236 = tpu.memref_slice %dma_start3A_234[%dma_start3A_219, %dma_start3A_235] : memref<2x128xi32, #tpu.memory_space<vmem>> -> memref<1x128xi32, #tpu.memory_space<vmem>>
        %dma_start3A_237 = tpu.memref_squeeze %dma_start3A_236 : memref<1x128xi32, #tpu.memory_space<vmem>> -> memref<128xi32, #tpu.memory_space<vmem>>
        %dma_start3A_238 = arith.constant 0 : i32
        %dma_start3A_239 = arith.constant 0 : i32
        %dma_start3A_240 = tpu.memref_slice %arg3[%dma_start3A_238, %dma_start3A_239] : memref<1000000x128xf32, #tpu.memory_space<hbm>> -> memref<1000000x128xf32, #tpu.memory_space<hbm>>
        tpu.enqueue_indirect_dma source(%dma_start3A_240 : memref<1000000x128xf32, #tpu.memory_space<hbm>>) target(%dma_start3A_230 : memref<128x128xf32, #tpu.memory_space<vmem>>) offsets(%dma_start3A_237 : memref<128xi32, #tpu.memory_space<vmem>>) semaphore(%arg7 : memref<!tpu.dma_semaphore, #tpu.memory_space<semaphore_mem>>)
      } else {
      }
      %mul3A_147 = arith.constant 2 : i32
      %mul3A_148 = arith.muli %add3A_139, %mul3A_147 : i32
      %add3A_149 = arith.addi %mul3A_2, %mul3A_148 : i32
      %dma_wait3A_150 = arith.constant 1 : i32
      %dma_wait3A_151 = arith.constant 0 : i32
      %dma_wait3A_152 = arith.constant 0 : i32
      %dma_wait3A_153 = arith.constant 0 : i32
      %dma_wait3A_154 = tpu.memref_slice %arg6[%dma_wait3A_150, %dma_wait3A_151, %dma_wait3A_152, %dma_wait3A_153] : memref<2x2x128x128xf32, #tpu.memory_space<vmem>> -> memref<1x2x128x128xf32, #tpu.memory_space<vmem>>
      %dma_wait3A_155 = tpu.memref_squeeze %dma_wait3A_154 : memref<1x2x128x128xf32, #tpu.memory_space<vmem>> -> memref<2x128x128xf32, #tpu.memory_space<vmem>>
      %dma_wait3A_156 = arith.constant 0 : i32
      %dma_wait3A_157 = arith.constant 0 : i32
      %dma_wait3A_158 = tpu.memref_slice %arg4[%add3A_149, %dma_wait3A_156, %dma_wait3A_157] : memref<6400x128x128xf32, #tpu.memory_space<hbm>> -> memref<2x128x128xf32, #tpu.memory_space<hbm>>
      %dma_wait3A_159 = arith.constant 0 : i32
      %dma_wait3A_160 = arith.constant 0 : i32
      %dma_wait3A_161 = arith.constant 0 : i32
      %dma_wait3A_162 = tpu.memref_slice %arg6[%dma_wait3A_150, %dma_wait3A_159, %dma_wait3A_160, %dma_wait3A_161] : memref<2x2x128x128xf32, #tpu.memory_space<vmem>> -> memref<1x2x128x128xf32, #tpu.memory_space<vmem>>
      %dma_wait3A_163 = tpu.memref_squeeze %dma_wait3A_162 : memref<1x2x128x128xf32, #tpu.memory_space<vmem>> -> memref<2x128x128xf32, #tpu.memory_space<vmem>>
      %dma_wait3A_164 = arith.constant 0 : i32
      %dma_wait3A_165 = arith.constant 0 : i32
      %dma_wait3A_166 = tpu.memref_slice %arg4[%add3A_149, %dma_wait3A_164, %dma_wait3A_165] : memref<6400x128x128xf32, #tpu.memory_space<hbm>> -> memref<2x128x128xf32, #tpu.memory_space<hbm>>
      tpu.wait_dma2 semaphore(%arg7 : memref<!tpu.dma_semaphore, #tpu.memory_space<semaphore_mem>>) src(%dma_wait3A_166 : memref<2x128x128xf32, #tpu.memory_space<hbm>>) dst(%dma_wait3A_163 : memref<2x128x128xf32, #tpu.memory_space<vmem>>)
      %dma_start3A_167 = arith.constant 1 : i32
      %dma_start3A_168 = arith.constant 0 : i32
      %dma_start3A_169 = arith.constant 0 : i32
      %dma_start3A_170 = arith.constant 0 : i32
      %dma_start3A_171 = tpu.memref_slice %arg6[%dma_start3A_167, %dma_start3A_168, %dma_start3A_169, %dma_start3A_170] : memref<2x2x128x128xf32, #tpu.memory_space<vmem>> -> memref<1x2x128x128xf32, #tpu.memory_space<vmem>>
      %dma_start3A_172 = tpu.memref_squeeze %dma_start3A_171 : memref<1x2x128x128xf32, #tpu.memory_space<vmem>> -> memref<2x128x128xf32, #tpu.memory_space<vmem>>
      %dma_start3A_173 = arith.constant 0 : i32
      %dma_start3A_174 = arith.constant 0 : i32
      %dma_start3A_175 = tpu.memref_slice %arg4[%add3A_149, %dma_start3A_173, %dma_start3A_174] : memref<6400x128x128xf32, #tpu.memory_space<hbm>> -> memref<2x128x128xf32, #tpu.memory_space<hbm>>
      %dma_start3A_176 = arith.constant 0 : i32
      %dma_start3A_177 = arith.constant 0 : i32
      %dma_start3A_178 = tpu.memref_slice %arg4[%add3A_149, %dma_start3A_176, %dma_start3A_177] : memref<6400x128x128xf32, #tpu.memory_space<hbm>> -> memref<2x128x128xf32, #tpu.memory_space<hbm>>
      %dma_start3A_179 = arith.constant 0 : i32
      %dma_start3A_180 = arith.constant 0 : i32
      %dma_start3A_181 = arith.constant 0 : i32
      %dma_start3A_182 = tpu.memref_slice %arg6[%dma_start3A_167, %dma_start3A_179, %dma_start3A_180, %dma_start3A_181] : memref<2x2x128x128xf32, #tpu.memory_space<vmem>> -> memref<1x2x128x128xf32, #tpu.memory_space<vmem>>
      %dma_start3A_183 = tpu.memref_squeeze %dma_start3A_182 : memref<1x2x128x128xf32, #tpu.memory_space<vmem>> -> memref<2x128x128xf32, #tpu.memory_space<vmem>>
      tpu.enqueue_dma source(%dma_start3A_183 : memref<2x128x128xf32, #tpu.memory_space<vmem>>) target(%dma_start3A_178 : memref<2x128x128xf32, #tpu.memory_space<hbm>>) target_semaphore(%arg8 : memref<!tpu.dma_semaphore, #tpu.memory_space<semaphore_mem>>)
      %scan3A_184 = arith.constant 0 : i32
      scf.yield %scan3A_184 : i32
    }
    %scan3A_55 = arith.constant 50 : i32
    %dma_wait3A = arith.constant 0 : i32
    %dma_wait3A_56 = arith.constant 0 : i32
    %dma_wait3A_57 = arith.constant 0 : i32
    %dma_wait3A_58 = arith.constant 0 : i32
    %dma_wait3A_59 = tpu.memref_slice %arg6[%dma_wait3A, %dma_wait3A_56, %dma_wait3A_57, %dma_wait3A_58] : memref<2x2x128x128xf32, #tpu.memory_space<vmem>> -> memref<1x2x128x128xf32, #tpu.memory_space<vmem>>
    %dma_wait3A_60 = tpu.memref_squeeze %dma_wait3A_59 : memref<1x2x128x128xf32, #tpu.memory_space<vmem>> -> memref<2x128x128xf32, #tpu.memory_space<vmem>>
    %dma_wait3A_61 = arith.constant 0 : i32
    %dma_wait3A_62 = arith.constant 0 : i32
    %dma_wait3A_63 = tpu.memref_slice %arg4[%mul3A_2, %dma_wait3A_61, %dma_wait3A_62] : memref<6400x128x128xf32, #tpu.memory_space<hbm>> -> memref<2x128x128xf32, #tpu.memory_space<hbm>>
    %dma_wait3A_64 = arith.constant 0 : i32
    %dma_wait3A_65 = arith.constant 0 : i32
    %dma_wait3A_66 = tpu.memref_slice %arg4[%mul3A_2, %dma_wait3A_64, %dma_wait3A_65] : memref<6400x128x128xf32, #tpu.memory_space<hbm>> -> memref<2x128x128xf32, #tpu.memory_space<hbm>>
    %dma_wait3A_67 = arith.constant 0 : i32
    %dma_wait3A_68 = arith.constant 0 : i32
    %dma_wait3A_69 = arith.constant 0 : i32
    %dma_wait3A_70 = tpu.memref_slice %arg6[%dma_wait3A, %dma_wait3A_67, %dma_wait3A_68, %dma_wait3A_69] : memref<2x2x128x128xf32, #tpu.memory_space<vmem>> -> memref<1x2x128x128xf32, #tpu.memory_space<vmem>>
    %dma_wait3A_71 = tpu.memref_squeeze %dma_wait3A_70 : memref<1x2x128x128xf32, #tpu.memory_space<vmem>> -> memref<2x128x128xf32, #tpu.memory_space<vmem>>
    tpu.wait_dma2 semaphore(%arg8 : memref<!tpu.dma_semaphore, #tpu.memory_space<semaphore_mem>>) src(%dma_wait3A_71 : memref<2x128x128xf32, #tpu.memory_space<vmem>>) dst(%dma_wait3A_66 : memref<2x128x128xf32, #tpu.memory_space<hbm>>)
    %dma_wait3A_72 = arith.constant 1 : i32
    %dma_wait3A_73 = arith.constant 0 : i32
    %dma_wait3A_74 = arith.constant 0 : i32
    %dma_wait3A_75 = arith.constant 0 : i32
    %dma_wait3A_76 = tpu.memref_slice %arg6[%dma_wait3A_72, %dma_wait3A_73, %dma_wait3A_74, %dma_wait3A_75] : memref<2x2x128x128xf32, #tpu.memory_space<vmem>> -> memref<1x2x128x128xf32, #tpu.memory_space<vmem>>
    %dma_wait3A_77 = tpu.memref_squeeze %dma_wait3A_76 : memref<1x2x128x128xf32, #tpu.memory_space<vmem>> -> memref<2x128x128xf32, #tpu.memory_space<vmem>>
    %dma_wait3A_78 = arith.constant 0 : i32
    %dma_wait3A_79 = arith.constant 0 : i32
    %dma_wait3A_80 = tpu.memref_slice %arg4[%mul3A_2, %dma_wait3A_78, %dma_wait3A_79] : memref<6400x128x128xf32, #tpu.memory_space<hbm>> -> memref<2x128x128xf32, #tpu.memory_space<hbm>>
    %dma_wait3A_81 = arith.constant 0 : i32
    %dma_wait3A_82 = arith.constant 0 : i32
    %dma_wait3A_83 = tpu.memref_slice %arg4[%mul3A_2, %dma_wait3A_81, %dma_wait3A_82] : memref<6400x128x128xf32, #tpu.memory_space<hbm>> -> memref<2x128x128xf32, #tpu.memory_space<hbm>>
    %dma_wait3A_84 = arith.constant 0 : i32
    %dma_wait3A_85 = arith.constant 0 : i32
    %dma_wait3A_86 = arith.constant 0 : i32
    %dma_wait3A_87 = tpu.memref_slice %arg6[%dma_wait3A_72, %dma_wait3A_84, %dma_wait3A_85, %dma_wait3A_86] : memref<2x2x128x128xf32, #tpu.memory_space<vmem>> -> memref<1x2x128x128xf32, #tpu.memory_space<vmem>>
    %dma_wait3A_88 = tpu.memref_squeeze %dma_wait3A_87 : memref<1x2x128x128xf32, #tpu.memory_space<vmem>> -> memref<2x128x128xf32, #tpu.memory_space<vmem>>
    tpu.wait_dma2 semaphore(%arg8 : memref<!tpu.dma_semaphore, #tpu.memory_space<semaphore_mem>>) src(%dma_wait3A_88 : memref<2x128x128xf32, #tpu.memory_space<vmem>>) dst(%dma_wait3A_83 : memref<2x128x128xf32, #tpu.memory_space<hbm>>)
    return
  }
}

module attributes {stable_mosaic.version = 14 : i64} {
  func.func @_pad_body(%arg0: i32, %arg1: memref<10000x100xf32, #tpu.memory_space<vmem>>, %arg2: memref<10000x128xf32, #tpu.memory_space<vmem>>) attributes {dimension_semantics = [#tpu.dimension_semantics<arbitrary>], iteration_bounds = array<i64: 100>, scalar_prefetch = 0 : i64, scratch_operands = 0 : i64, tpu.core_type = #tpu.core_type<tc>, window_params = [{transform_indices = @transform_0, window_bounds = array<i64: 10000, 100>}, {transform_indices = @transform_1, window_bounds = array<i64: 10000, 128>}]} {
    %get3A = arith.constant 0 : index
    %get3A_0 = arith.constant 0 : index
    %get3A_1 = vector.load %arg1[%get3A, %get3A_0] : memref<10000x100xf32, #tpu.memory_space<vmem>>, vector<10000x100xf32>
    %swap3A = arith.constant 0 : index
    %swap3A_2 = arith.constant 0 : index
    %swap3A_3 = vector.load %arg2[%swap3A, %swap3A_2] : memref<10000x128xf32, #tpu.memory_space<vmem>>, vector<10000x100xf32>
    tpu.vector_store %arg2[%swap3A, %swap3A_2], %get3A_1 {strides = array<i32>} : memref<10000x128xf32, #tpu.memory_space<vmem>>, vector<10000x100xf32>,
    return
  }
  func.func @transform_0(%arg0: i32) -> (i32, i32) {
    %c0_i32 = arith.constant 0 : i32
    %c0_i32_0 = arith.constant 0 : i32
    return %arg0, %c0_i32 : i32, i32
  }
  func.func @transform_1(%arg0: i32) -> (i32, i32) {
    %c0_i32 = arith.constant 0 : i32
    %c0_i32_0 = arith.constant 0 : i32
    return %arg0, %c0_i32 : i32, i32
  }
}

</mosaic_0001>

<sc_bundles>
// kernel: kernel.4.cloned.1.call-start
scs
__scs_entry_jumppad:
0x0: {  	(pc) =	sbr.rel $0x88, $3  }
0x1: {  	(tag) =	ssettag $0x0;
	lr =	simm.s32 $0x1  }
0x2: {  	[smem:$0x3F9F] =	sst lr;
	_ =	strace $0xD0000000  }
0x3: {  	_ = 	snop  }
0x4: {  	_ = 	snop  }
0x5: {  	_ = 	snop  }
0x6: {  	_ = 	snop  }
0x7: {  	_ = 	snop  }
__scs_overlays_trampoline_lowered:
0x8: {  	[smem:$0x3FAE] =	sst s0  }
0x9: {  	[smem:$0x3FAF] =	sst s1  }
0xa: {  	[smem:$0x3FB0] =	sst s2  }
0xb: {  	[smem:$0x3FB1] =	sst s3  }
0xc: {  	[smem:$0x3FB2] =	sst s4  }
0xd: {  	[smem:$0x3FB3] =	sst s5  }
0xe: {  	[smem:$0x3FB4] =	sst s6  }
0xf: {  	[smem:$0x3FB5] =	sst s7  }
0x10: {  	[smem:$0x3FB6] =	sst s8  }
0x11: {  	[smem:$0x3FB7] =	sst s9;
	s0 =	simm.s32 @!p0 $0x0  }
0x12: {  	s1 =	sld [smem:$0x3F9D];
	s0 =	simm.s32 @p0 $0x1  }
0x13: {  	[smem:$0x3FB8] =	sst s0;
	s0 =	simm.s32 @!p1 $0x0  }
0x14: {  	s2 =	sld [smem:$0x3F9C];
	s0 =	simm.s32 @p1 $0x1  }
0x15: {  	[smem:$0x3FB9] =	sst s0;
	s0 =	simm.s32 @!p2 $0x0  }
0x16: {  	s3 =	sld [smem:$0x3FDB];
	s0 =	simm.s32 @p2 $0x1  }
0x17: {  	s4 =	simm.s32 $0x1BF5;
	[smem:$0x3FBB] =	sst s0  }
0x18: {  	s0 =	sld [smem:$0x3F9E];
	_ =	swait.ge [sflag:s4], $0x0  }
0x19: {  	s7 =	sld [smem:$0x3F9F]  }
0x1a: {  	s8 =	sadd.s32 $0xFFFFE003, lr  }
0x1b: {  	s9 =	sadd.s32 $0xFFFFFEF7, lr;
	s5 =	simm.s32 $0xFFFFFFFF;
	p2 =	slt.u32 s8, $0xFFFFF086  }
0x1c: {  	p1 =	slt.u32 s9, $0xF7A;
	s5 =	simm.s32 @!p2 $0x0  }
0x1d: {  	s5 =	simm.s32 @p1 $0x1;
	p0 =	seq.s32 s7, s2  }
0x1e: {  	s7 =	smul.u32 @!p0 $0xF7A, s2;
	p2 =	seq.s32 @!p0 s5, $0x0  }
0x1f: {  	s9 =	smul.u32 $0xF7A, s1;
	s8 =	simm.s32 @!p0 $0x1BF5;
	p2 =	por !p2, p0  }
0x20: {  	[sflag:s8] =	ssyncset.s32 @!p0 $0xFFFFF086;
	s6 =	sadd.s32 @!p0 s3, s7;
	s7 =	simm.s32 @!p0 $0x108  }
0x21: {  	s3 =	sadd.s32 s3, s9;
	s6 =	sadd.s32 @!p0 $0x88, s6;
	s7 =	simm.s32 @p2 $0x1082  }
0x22: {  	[simem:s7], [sflag:s8] =	dma.local @!p0 [hbm:s6], $0xF7A  }
0x23: {  	s9 =	sor.u32 $0xD0000000, s2;
	s6 =	simm.s32 $0x108;
	_ =	swait.ge @!p0 [sflag:s8], $0x0  }
0x24: {  	s3 =	sadd.s32 $0x88, s3;
	s6 =	simm.s32 @!p1 $0x1082;
	[sflag:s4] =	ssyncset.s32 $0xFFFFF086  }
0x25: {  	[simem:s6], [sflag:s4] =	dma.local [hbm:s3], $0xF7A  }
0x26: {  	[smem:$0x3F9F] =	sst s1;
	(tag) =	ssettag s2;
	_ =	strace s9  }
0x27: {  	s1 =	sld [smem:$0x3FAF]  }
0x28: {  	s2 =	sld [smem:$0x3FB0]  }
0x29: {  	s4 =	sld [smem:$0x3FB2]  }
0x2a: {  	p0 =	seq.s32 s5, $0x0;
	s5 =	sld [smem:$0x3FB3]  }
0x2b: {  	s6 =	sld [smem:$0x3FB4]  }
0x2c: {  	s7 =	sld [smem:$0x3FB5]  }
0x2d: {  	s3 =	simm.s32 $0x108;
	s8 =	sld [smem:$0x3FB6]  }
0x2e: {  	s3 =	simm.s32 @!p0 $0x1082;
	s9 =	sld [smem:$0x3FB7]  }
0x2f: {  	lr =	sadd.s32 s0, s3;
	s0 =	sld [smem:$0x3FAE]  }
0x30: {  	s3 =	sld [smem:$0x3FB1]  }
0x31: {  	[smem:$0x3FBA] =	sst s10  }
0x32: {  	s10 =	sld [smem:$0x3FB8];
	_ =	sdelay $0x3  }
0x33: {  	p0 =	seq.s32 s10, $0x1;
	s10 =	sld [smem:$0x3FBA];
	_ =	sdelay $0x3  }
0x34: {  	[smem:$0x3FBA] =	sst s10  }
0x35: {  	s10 =	sld [smem:$0x3FB9];
	_ =	sdelay $0x3  }
0x36: {  	p1 =	seq.s32 s10, $0x1;
	s10 =	sld [smem:$0x3FBA];
	_ =	sdelay $0x3  }
0x37: {  	[smem:$0x3FBA] =	sst s10  }
0x38: {  	s10 =	sld [smem:$0x3FBB]  }
0x39: {  	_ = 	snop;
	(pc) =	sbr.ind lr, $3  }
0x3a: {  	_ = 	snop  }
0x3b: {  	_ = 	snop  }
0x3c: {  	p2 =	seq.s32 s10, $0x1;
	s10 =	sld [smem:$0x3FBA]  }
0x3d: {  	_ =	shalt  }
0x3e: {  	_ =	shalt  }
0x3f: {  	_ =	shalt  }
0x40: {  	_ =	shalt  }
0x41: {  	_ =	shalt  }
0x42: {  	_ =	shalt  }
0x43: {  	_ =	shalt  }
0x44: {  	_ =	shalt  }
0x45: {  	_ =	shalt  }
0x46: {  	_ =	shalt  }
0x47: {  	_ =	shalt  }
0x48: {  	_ =	shalt  }
0x49: {  	_ =	shalt  }
0x4a: {  	_ =	shalt  }
0x4b: {  	_ =	shalt  }
0x4c: {  	_ =	shalt  }
0x4d: {  	_ =	shalt  }
0x4e: {  	_ =	shalt  }
0x4f: {  	_ =	shalt  }
0x50: {  	_ =	shalt  }
0x51: {  	_ =	shalt  }
0x52: {  	_ =	shalt  }
0x53: {  	_ =	shalt  }
0x54: {  	_ =	shalt  }
0x55: {  	_ =	shalt  }
0x56: {  	_ =	shalt  }
0x57: {  	_ =	shalt  }
0x58: {  	_ =	shalt  }
0x59: {  	_ =	shalt  }
0x5a: {  	_ =	shalt  }
0x5b: {  	_ =	shalt  }
0x5c: {  	_ =	shalt  }
0x5d: {  	_ =	shalt  }
0x5e: {  	_ =	shalt  }
0x5f: {  	_ =	shalt  }
0x60: {  	_ =	shalt  }
0x61: {  	_ =	shalt  }
0x62: {  	_ =	shalt  }
0x63: {  	_ =	shalt  }
0x64: {  	_ =	shalt  }
0x65: {  	_ =	shalt  }
0x66: {  	_ =	shalt  }
0x67: {  	_ =	shalt  }
0x68: {  	_ =	shalt  }
0x69: {  	_ =	shalt  }
0x6a: {  	_ =	shalt  }
0x6b: {  	_ =	shalt  }
0x6c: {  	_ =	shalt  }
0x6d: {  	_ =	shalt  }
0x6e: {  	_ =	shalt  }
0x6f: {  	_ =	shalt  }
0x70: {  	_ =	shalt  }
0x71: {  	_ =	shalt  }
0x72: {  	_ =	shalt  }
0x73: {  	_ =	shalt  }
0x74: {  	_ =	shalt  }
0x75: {  	_ =	shalt  }
0x76: {  	_ =	shalt  }
0x77: {  	_ =	shalt  }
0x78: {  	_ =	shalt  }
0x79: {  	_ =	shalt  }
0x7a: {  	_ =	shalt  }
0x7b: {  	_ =	shalt  }
0x7c: {  	_ =	shalt  }
0x7d: {  	_ =	shalt  }
0x7e: {  	_ =	shalt  }
0x7f: {  	_ =	shalt  }
0x80: {  	_ =	shalt  }
0x81: {  	_ =	shalt  }
0x82: {  	_ =	shalt  }
0x83: {  	_ =	shalt  }
0x84: {  	_ =	shalt  }
0x85: {  	_ =	shalt  }
0x86: {  	_ =	shalt  }
0x87: {  	_ =	shalt  }
.Lfunc_end0:
.L_simem_size_0:
called_computation.1_lowered:
.L_overlay_start_0:
0x88: {  	s2 =	sld [smem:$0x3FD9]  }
0x89: {  	s3 =	sld [smem:$0x3FFE];
	_ =	sdelay $0x1  }
0x8a: {  	s1 =	srdreg.scid  }
0x8b: {  	s0 =	sand.u32 $0x1, s1  }
0x8c: {  	s17 =	sshll.u32 s0, $0xA;
	s2 =	sadd.s32 s3, s2  }
0x8d: {  	s2 =	sadd.s32 s2, s17  }
0x8e: {  	[smem:$0x3FC6] =	sst s2  }
0x8f: {  	_ = 	snop  }
0x90: {  	s2 =	sld [smem:$0x3FD0];
	(tm) =	ssettm $0x1  }
0x91: {  	s18 =	sld [smem:$0x3FFB];
	_ =	sdelay $0x3  }
0x92: {  	_ =	strace s18  }
0x93: {  	s3 =	sld [smem:$0x3FFC];
	_ =	sdelay $0x3  }
0x94: {  	_ =	strace s3  }
0x95: {  	s3 =	sld [smem:$0x3FFD];
	_ =	sdelay $0x3  }
0x96: {  	_ =	strace s3  }
0x97: {  	_ =	strace $0x8FFFFFFF  }
0x98: {  	s19 =	sld [smem:$0x3FDB];
	_ =	sdelay $0x1  }
0x99: {  	s4 =	simm.s32 $_scs_section_size  }
0x9a: {  	s5 =	simm.s32 $_size__tile_overlayer_lowered;
	s6 =	simm.s32 $_tile_overlayer_lowered  }
0x9b: {  	s22 =	simm.s32 $0x1BFF;
	s21 =	sshll.u32 s6, $0x1;
	s3 =	sadd.s32 s4, s19  }
0x9c: {  	s7 =	simm.s32 $0x0;
	s20 =	sshll.u32 s5, $0x1;
	s5 =	sadd.s32 s21, s3  }
0x9d: {  	[timem:s7], [sflag:s22] =	dma.local [hbm:s5], s20  }
0x9e: {  	_ =	swait.ge [sflag:s22], s20  }
0x9f: {  	s4 =	ssub.s32 $0x0, s20;
	[sflag:s22] =	ssyncset.done $0x0  }
0xa0: {  	[sflag:s22] =	ssyncadd.s32 s4;
	_ =	sdelay $0x1  }
0xa1: {  	s23 =	simm.s32 $0x1B8B  }
0xa2: {  	_ =	swait.ge [sflag:s23], $0x1  }
0xa3: {  	[sflag:s23] =	ssyncset.done $0x0  }
0xa4: {  	s25 =	simm.s32 $0x1B8E;
	s24 =	sld [smem:$0x3FFE];
	[sflag:s23] =	ssyncadd.s32 $0xFFFFFFFF  }
0xa5: {  	s26 =	simm.s32 $execute0_lowered;
	[smem:$0x3FD2] =	sst s25  }
0xa6: {  	s5 =	sshll.u32 s26, $0x1;
	_ =	strace $0x80000046;
	[dreg:$0x1] =	wrdreg $0xFFFFFFFF  }
0xa7: {  	s28 =	simm.s32 $_size_execute0_lowered;
	s3 =	sadd.s32 s3, s5;
	[dreg:$0x0] =	wrdreg $0x0  }
0xa8: {  	s5 =	sshll.u32 s28, $0x1;
	[dreg:$0x2] =	wrdreg s3  }
0xa9: {  	[dreg:$0x3] =	wrdreg s5  }
0xaa: {  	[dreg:$0x4] =	wrdreg $0xC0  }
0xab: {  	_ =	task [dreg:s7], $0x5FFFF  }
0xac: {  	[dreg:$0x1] =	wrdreg $0xFFFFFFFF  }
0xad: {  	[dreg:$0x0] =	wrdreg $0x60  }
0xae: {  	[dreg:$0x2] =	wrdreg s2  }
0xaf: {  	[dreg:$0x3] =	wrdreg s24  }
0xb0: {  	[dreg:$0x4] =	wrdreg $0x9  }
0xb1: {  	_ =	task.clear_ibuf [dreg:s7], $0x5FFFF;
	_ =	strace $0x90000046  }
0xb2: {  	s29 =	simm.s32 $0x9;
	_ =	strace $0x80000048  }
0xb3: {  	_ =	swait.ge [sflag:s29], $0x1  }
0xb4: {  	[sflag:s29] =	ssyncadd.s32 $0xFFFFFFFF  }
0xb5: {  	_ =	strace $0x90000048  }
0xb6: {  	_ =	sfence  }
0xb7: {  	s30 =	sld [smem:$0x0];
	_ =	sdelay $0x2  }
0xb8: {  	s31 =	sshll.u32 s1, $0xD;
	s1 =	sshrl.u32 s1, $0x2  }
0xb9: {  	s3 =	sand.u32 $0x4000, s31;
	s1 =	sadd.s32 s1, s30  }
0xba: {  	s0 =	sor.u32 s3, s0;
	s1 =	sshll.u32 s1, $0x11  }
0xbb: {  	s0 =	sor.u32 s1, s0  }
0xbc: {  	s0 =	sadd.s32 $0x8F2B, s0  }
0xbd: {  	[sflag:s0] =	ssyncadd.remote.s32 $0x1  }
0xbe: {  	_ =	sfence.sel $0xFFFF  }
0xbf: {  	[dreg:$0x0] =	wrdreg $0xFFFFFFFF;
	(pc) =	sbr.abs _section_cstart, $3  }
0xc0: {  	[dreg:$0x1] =	wrdreg $0xFFFFFFFF  }
0xc1: {  	_ =	task.clear_ibuf [dreg:s7], $0x2FFFF;
	_ =	strace $0x9FFFFFFF  }
0xc2: {  	(tm) =	ssettm $0x7FFFFFFF  }
0xc3: {  	_ =	shalt  }
tec
execute0_lowered:
.L_overlay_start_1:
0x0: {  	(tag) =	ssettag $0x1  }
0x1: {  	s2 =	rddreg [dreg:$0x0]  }
0x2: {  	s5 =	rddreg [dreg:$0x1]  }
0x3: {  	s4 =	srdreg.scid;
	s0 =	stileid.u32;
	s3 =	simm.s32 $0x0  }
0x4: {  	s19 =	simm.s32 $0x4200;
	s20 =	simm.s32 $0x100;
	s21 =	simm.s32 $0x8200  }
0x5: {  	s22 =	simm.s32 $0x180;
	s23 =	simm.s32 $0xC200;
	s13 =	smul.u32 $0x640000, s0  }
0x6: {  	s12 =	sand.u32 $0x1, s4;
	s24 =	sshll.u32 s0, $0x1;
	s16 =	smul.u32 $0xC800, s0  }
0x7: {  	[smem:$0x7FF] =	sst s3;
	s4 =	sadd.s32 $0xF42E00, s5;
	s14 =	smul.u32 $0x320000, s12  }
0x8: {  	s15 =	sadd.s32 $0xA00, s5;
	s6 =	sor.u32 s12, s24;
	s17 =	smul.u32 $0x6400, s12  }
0x9: {  	_ =	strace $0x80000047;
	s7 =	ssub.s32 $0x2, s12;
	s8 =	smul.u32 $0xC80, s6  }
0xa: {  	s24 =	simm.s32 $0x1;
	s9 =	sshrl.u32 s7, $0x1;
	s10 =	smul.u32 $0x6400, s6  }
0xb: {  	s25 =	smul.u32 $0x320000, s6;
	s7 =	ssub.s32 s7, s9;
	s14 =	sadd.s32 s14, s13  }
0xc: {  	s16 =	sadd.s32 s17, s16;
	s17 =	simm.s32 $0x80;
	s1 =	sadd.s32 s2, s8  }
0xd: {  	s26 =	smax.u32 s7, $0x1;
	s28 =	sshrl.u32 s10, $0x3;
	s29 =	sshrl.u32 s25, $0x3  }
0xe: {  	s18 =	sor.u32 $0x10000, s14;
	s30 =	sor.u32 $0x18000, s14;
	[dreg:$0x3] =	wrdreg s16  }
0xf: {  	s16 =	simm.s32 $0x3;
	s25 =	simm.s32 $0x2;
	[dreg:$0x4] =	wrdreg s1  }
0x10: {  	[dreg:$0x5] =	wrdreg s26;
	s11 =	sadd.s32 s2, s28;
	s8 =	sadd.s32 s15, s29  }
0x11: {  	s18 =	sshrl.u32 s18, $0x3;
	s31 =	sshrl.u32 s30, $0x3;
	s26 =	simm.s32 $0x0  }
0x12: {  	s7 =	sadd.s32 $0x20, s11;
	s9 =	sadd.s32 $0x40, s11;
	s10 =	sadd.s32 $0x1000, s8  }
0x13: {  	s11 =	sadd.s32 $0xC60, s11;
	s12 =	sadd.s32 $0x62000, s8;
	s13 =	sadd.s32 $0x63000, s8  }
0x14: {  	s14 =	sadd.s32 s18, s15;
	s15 =	sadd.s32 s31, s15;
	s18 =	simm.s32 $0x200  }
.LBB2_1:
0x15: {  	s0 =	rddreg [dreg:$0x4]  }
0x16: {  	[tilespmem:s3], [sflag:$0x3] =	stream.linear.gather [hbm4b:s0+s3], $0x100, $0x38;
	[tilespmem:$0x10200] =	vst v63  }
0x17: {  	_ =	swait.ge [sflag:s16], $0x100  }
0x18: {  	[sflag:s16] =	ssyncset.done $0x0  }
0x19: {  	[sflag:s16] =	ssyncadd.s32 $0xFFFFFF00  }
0x1a: {  	[tilespmem:s18], [sflag:$0x1] =	stream.indirect.gather [hbm4b:s4+s17], $0x80, s3, s17, $0xb8;
	[tilespmem:$0x10200] =	vst v63  }
0x1b: {  	_ = 	snop  }
0x1c: {  	[tilespmem:s19], [sflag:$0x1] =	stream.indirect.gather [hbm4b:s4+s17], $0x80, s17, s17, $0xb8;
	[tilespmem:$0x10200] =	vst v63  }
0x1d: {  	_ = 	snop  }
0x1e: {  	[tilespmem:s20], [sflag:$0x3] =	stream.linear.gather [hbm4b:s7+s3], $0x100, $0x38;
	[tilespmem:$0x10200] =	vst v63  }
0x1f: {  	_ =	swait.ge [sflag:s16], $0x100  }
0x20: {  	[sflag:s16] =	ssyncset.done $0x0  }
0x21: {  	[sflag:s16] =	ssyncadd.s32 $0xFFFFFF00  }
0x22: {  	[tilespmem:s21], [sflag:$0x1] =	stream.indirect.gather [hbm4b:s4+s17], $0x80, s20, s17, $0xb8;
	[tilespmem:$0x10200] =	vst v63  }
0x23: {  	_ = 	snop  }
0x24: {  	[tilespmem:s23], [sflag:$0x1] =	stream.indirect.gather [hbm4b:s4+s17], $0x80, s22, s17, $0xb8;
	[tilespmem:$0x10200] =	vst v63  }
0x25: {  	_ =	swait.ge [sflag:s24], $0x8000  }
0x26: {  	[sflag:s24] =	ssyncset.done $0x0  }
0x27: {  	[sflag:s24] =	ssyncadd.s32 $0xFFFF8000  }
0x28: {  	[hbm4b:s8+s3] =	stream.linear.scatter [tilespmem:s18], [sflag:$0x2], $0x8000, $0x38;
	[tilespmem:$0x10200] =	vst v63  }
0x29: {  	_ =	swait.ge [sflag:s25], $0x8000  }
0x2a: {  	[sflag:s25] =	ssyncset.done $0x0  }
0x2b: {  	[sflag:s25] =	ssyncadd.s32 $0xFFFF8000  }
0x2c: {  	[tilespmem:s3], [sflag:$0x3] =	stream.linear.gather [hbm4b:s9+s3], $0x100, $0x38;
	[tilespmem:$0x10200] =	vst v63  }
0x2d: {  	_ =	swait.ge [sflag:s16], $0x100  }
0x2e: {  	[sflag:s16] =	ssyncset.done $0x0  }
0x2f: {  	[sflag:s16] =	ssyncadd.s32 $0xFFFFFF00  }
0x30: {  	[tilespmem:s18], [sflag:$0x1] =	stream.indirect.gather [hbm4b:s4+s17], $0x80, s3, s17, $0xb8;
	[tilespmem:$0x10200] =	vst v63  }
0x31: {  	_ = 	snop  }
0x32: {  	[tilespmem:s19], [sflag:$0x1] =	stream.indirect.gather [hbm4b:s4+s17], $0x80, s17, s17, $0xb8;
	[tilespmem:$0x10200] =	vst v63  }
0x33: {  	_ =	swait.ge [sflag:s24], $0x8000  }
0x34: {  	[sflag:s24] =	ssyncset.done $0x0  }
0x35: {  	[sflag:s24] =	ssyncadd.s32 $0xFFFF8000  }
0x36: {  	[hbm4b:s10+s3] =	stream.linear.scatter [tilespmem:s21], [sflag:$0x2], $0x8000, $0x38;
	[tilespmem:$0x10200] =	vst v63  }
0x37: {  	_ =	swait.ge [sflag:s25], $0x8000  }
0x38: {  	s28 =	rddreg [dreg:$0x3]  }
0x39: {  	s28 =	sadd.s32 $0x0, s28  }
0x3a: {  	s30 =	simm.s32 $0x300;
	s29 =	sadd.s32 $0x200, s28  }
0x3b: {  	s30 =	sand.u32 $0x300, s30;
	s29 =	sand.u32 $0x1FFC00, s29  }
0x3c: {  	s29 =	sor.u32 s29, s30  }
0x3d: {  	[sflag:s25] =	ssyncset.done $0x0;
	s29 =	sshrl.u32 s29, $0x3  }
0x3e: {  	[sflag:s25] =	ssyncadd.s32 $0xFFFF8000;
	s29 =	sadd.s32 s2, s29  }
0x3f: {  	[tilespmem:s20], [sflag:$0x3] =	stream.linear.gather [hbm4b:s29+s3], $0x100, $0x38;
	[tilespmem:$0x10200] =	vst v63  }
0x40: {  	_ =	swait.ge [sflag:s16], $0x100  }
0x41: {  	[sflag:s16] =	ssyncset.done $0x0  }
0x42: {  	[sflag:s16] =	ssyncadd.s32 $0xFFFFFF00  }
0x43: {  	[tilespmem:s21], [sflag:$0x1] =	stream.indirect.gather [hbm4b:s4+s17], $0x80, s20, s17, $0xb8;
	[tilespmem:$0x10200] =	vst v63  }
0x44: {  	_ = 	snop  }
0x45: {  	[tilespmem:s23], [sflag:$0x1] =	stream.indirect.gather [hbm4b:s4+s17], $0x80, s22, s17, $0xb8;
	[tilespmem:$0x10200] =	vst v63  }
0x46: {  	_ =	swait.ge [sflag:s24], $0x8000  }
0x47: {  	s28 =	sadd.s32 $0x400, s28;
	s29 =	simm.s32 $0x400;
	[sflag:s24] =	ssyncset.done $0x0  }
0x48: {  	s28 =	sand.u32 $0x1FFC00, s28;
	s29 =	sand.u32 $0x200, s29;
	[sflag:s24] =	ssyncadd.s32 $0xFFFF8000  }
0x49: {  	[hbm4b:s14+s3] =	stream.linear.scatter [tilespmem:s18], [sflag:$0x2], $0x8000, $0x38;
	[tilespmem:$0x10200] =	vst v63  }
0x4a: {  	s28 =	sor.u32 s29, s28;
	_ =	swait.ge [sflag:s25], $0x8000  }
0x4b: {  	s28 =	sshrl.u32 s28, $0x3;
	[sflag:s25] =	ssyncset.done $0x0  }
0x4c: {  	s28 =	sadd.s32 s2, s28;
	[sflag:s25] =	ssyncadd.s32 $0xFFFF8000  }
0x4d: {  	[tilespmem:s3], [sflag:$0x3] =	stream.linear.gather [hbm4b:s28+s3], $0x100, $0x38;
	[tilespmem:$0x10200] =	vst v63  }
0x4e: {  	_ =	swait.ge [sflag:s16], $0x100  }
0x4f: {  	[sflag:s16] =	ssyncset.done $0x0  }
0x50: {  	[sflag:s16] =	ssyncadd.s32 $0xFFFFFF00  }
0x51: {  	[tilespmem:s18], [sflag:$0x1] =	stream.indirect.gather [hbm4b:s4+s17], $0x80, s3, s17, $0xb8;
	[tilespmem:$0x10200] =	vst v63  }
0x52: {  	_ = 	snop  }
0x53: {  	[tilespmem:s19], [sflag:$0x1] =	stream.indirect.gather [hbm4b:s4+s17], $0x80, s17, s17, $0xb8;
	[tilespmem:$0x10200] =	vst v63  }
0x54: {  	_ =	swait.ge [sflag:s24], $0x8000  }
0x55: {  	s31 =	smov.u32 s15;
	s30 =	sadd.s32 $0x2000, s15;
	[sflag:s24] =	ssyncset.done $0x0  }
0x56: {  	s29 =	sadd.s32 $0x2000, s14;
	s28 =	simm.s32 $0x200;
	[sflag:s24] =	ssyncadd.s32 $0xFFFF8000  }
.LBB2_2:
0x57: {  	[hbm4b:s31+s3] =	stream.linear.scatter [tilespmem:s21], [sflag:$0x2], $0x8000, $0x38;
	[tilespmem:$0x10200] =	vst v63  }
0x58: {  	_ =	swait.ge [sflag:s25], $0x8000  }
0x59: {  	s0 =	smov.u32 s28;
	s1 =	rddreg [dreg:$0x3]  }
0x5a: {  	s1 =	sadd.s32 s0, s1  }
0x5b: {  	s5 =	sadd.s32 $0x400, s0;
	s0 =	sadd.s32 $0x300, s0;
	s6 =	sadd.s32 $0x200, s1  }
0x5c: {  	s0 =	sand.u32 $0x300, s0;
	s6 =	sand.u32 $0x1FFC00, s6  }
0x5d: {  	s0 =	sor.u32 s6, s0  }
0x5e: {  	[sflag:s25] =	ssyncset.done $0x0;
	s0 =	sshrl.u32 s0, $0x3  }
0x5f: {  	[sflag:s25] =	ssyncadd.s32 $0xFFFF8000;
	s0 =	sadd.s32 s2, s0  }
0x60: {  	[tilespmem:s20], [sflag:$0x3] =	stream.linear.gather [hbm4b:s0+s3], $0x100, $0x38;
	[tilespmem:$0x10200] =	vst v63  }
0x61: {  	_ =	swait.ge [sflag:s16], $0x100  }
0x62: {  	[sflag:s16] =	ssyncset.done $0x0  }
0x63: {  	[sflag:s16] =	ssyncadd.s32 $0xFFFFFF00  }
0x64: {  	[tilespmem:s21], [sflag:$0x1] =	stream.indirect.gather [hbm4b:s4+s17], $0x80, s20, s17, $0xb8;
	[tilespmem:$0x10200] =	vst v63  }
0x65: {  	_ = 	snop  }
0x66: {  	[tilespmem:s23], [sflag:$0x1] =	stream.indirect.gather [hbm4b:s4+s17], $0x80, s22, s17, $0xb8;
	[tilespmem:$0x10200] =	vst v63  }
0x67: {  	_ =	swait.ge [sflag:s24], $0x8000  }
0x68: {  	s1 =	sadd.s32 $0x400, s1;
	[sflag:s24] =	ssyncset.done $0x0  }
0x69: {  	s5 =	sand.u32 $0x200, s5;
	s1 =	sand.u32 $0x1FFC00, s1;
	[sflag:s24] =	ssyncadd.s32 $0xFFFF8000  }
0x6a: {  	[hbm4b:s29+s3] =	stream.linear.scatter [tilespmem:s18], [sflag:$0x2], $0x8000, $0x38;
	[tilespmem:$0x10200] =	vst v63  }
0x6b: {  	s1 =	sor.u32 s5, s1;
	_ =	swait.ge [sflag:s25], $0x8000  }
0x6c: {  	s1 =	sshrl.u32 s1, $0x3;
	[sflag:s25] =	ssyncset.done $0x0  }
0x6d: {  	s6 =	sadd.s32 s2, s1;
	[sflag:s25] =	ssyncadd.s32 $0xFFFF8000  }
0x6e: {  	[tilespmem:s3], [sflag:$0x3] =	stream.linear.gather [hbm4b:s6+s3], $0x100, $0x38;
	[tilespmem:$0x10200] =	vst v63  }
0x6f: {  	_ =	swait.ge [sflag:s16], $0x100  }
0x70: {  	[sflag:s16] =	ssyncset.done $0x0  }
0x71: {  	p0 =	sne.s32 s28, $0x5E00;
	[sflag:s16] =	ssyncadd.s32 $0xFFFFFF00  }
0x72: {  	[tilespmem:s18], [sflag:$0x1] =	stream.indirect.gather [hbm4b:s4+s17], $0x80, s3, s17, $0xb8;
	[tilespmem:$0x10200] =	vst v63  }
.Ltmp0:
0x73: {  	_ = 	snop;
	(pc) =	sbr.rel @p0 .LBB2_2-.Ltmp0, $4  }
0x74: {  	[tilespmem:s19], [sflag:$0x1] =	stream.indirect.gather [hbm4b:s4+s17], $0x80, s17, s17, $0xb8;
	[tilespmem:$0x10200] =	vst v63  }
0x75: {  	_ =	swait.ge [sflag:s24], $0x8000  }
0x76: {  	s31 =	smov.u32 s30;
	s28 =	sadd.s32 $0x200, s28;
	[sflag:s24] =	ssyncset.done $0x0  }
0x77: {  	s30 =	sadd.s32 $0x2000, s30;
	s29 =	sadd.s32 $0x2000, s29;
	[sflag:s24] =	ssyncadd.s32 $0xFFFF8000  }
0x78: {  	[hbm4b:s31+s3] =	stream.linear.scatter [tilespmem:s21], [sflag:$0x2], $0x8000, $0x38;
	[tilespmem:$0x10200] =	vst v63  }
0x79: {  	_ =	swait.ge [sflag:s25], $0x8000  }
0x7a: {  	[sflag:s25] =	ssyncset.done $0x0  }
0x7b: {  	[sflag:s25] =	ssyncadd.s32 $0xFFFF8000  }
0x7c: {  	[tilespmem:s20], [sflag:$0x3] =	stream.linear.gather [hbm4b:s11+s3], $0x100, $0x38;
	[tilespmem:$0x10200] =	vst v63  }
0x7d: {  	_ =	swait.ge [sflag:s16], $0x100  }
0x7e: {  	[sflag:s16] =	ssyncset.done $0x0  }
0x7f: {  	[sflag:s16] =	ssyncadd.s32 $0xFFFFFF00  }
0x80: {  	[tilespmem:s21], [sflag:$0x1] =	stream.indirect.gather [hbm4b:s4+s17], $0x80, s20, s17, $0xb8;
	[tilespmem:$0x10200] =	vst v63  }
0x81: {  	_ = 	snop  }
0x82: {  	[tilespmem:s23], [sflag:$0x1] =	stream.indirect.gather [hbm4b:s4+s17], $0x80, s22, s17, $0xb8;
	[tilespmem:$0x10200] =	vst v63  }
0x83: {  	_ =	swait.ge [sflag:s24], $0x8000  }
0x84: {  	[sflag:s24] =	ssyncset.done $0x0  }
0x85: {  	[sflag:s24] =	ssyncadd.s32 $0xFFFF8000  }
0x86: {  	[hbm4b:s12+s3] =	stream.linear.scatter [tilespmem:s18], [sflag:$0x2], $0x8000, $0x38;
	[tilespmem:$0x10200] =	vst v63  }
0x87: {  	_ =	swait.ge [sflag:s24], $0x8000  }
0x88: {  	[sflag:s24] =	ssyncset.done $0x0  }
0x89: {  	[sflag:s24] =	ssyncadd.s32 $0xFFFF8000  }
0x8a: {  	[hbm4b:s13+s3] =	stream.linear.scatter [tilespmem:s21], [sflag:$0x2], $0x8000, $0x38;
	[tilespmem:$0x10200] =	vst v63  }
0x8b: {  	_ =	swait.ge [sflag:s25], $0x8000  }
0x8c: {  	[sflag:s25] =	ssyncset.done $0x0  }
0x8d: {  	[sflag:s25] =	ssyncadd.s32 $0xFFFF8000  }
0x8e: {  	_ =	swait.ge [sflag:s25], $0x8000  }
0x8f: {  	s26 =	sadd.s32 $0x1, s26;
	s0 =	rddreg [dreg:$0x5]  }
0x90: {  	p0 =	sne.s32 s26, s0  }
.Ltmp1:
0x91: {  	_ = 	snop;
	(pc) =	sbr.rel @p0 .LBB2_1-.Ltmp1, $3  }
0x92: {  	_ =	sdelay $0x1  }
0x93: {  	[sflag:s25] =	ssyncset.done $0x0  }
0x94: {  	[sflag:s25] =	ssyncadd.s32 $0xFFFF8000  }
0x95: {  	_ =	sfence.sel $0x180000  }
0x96: {  	[bflag:$0x0] =	sbarrier.arrive $0xFFFF  }
0x97: {  	_ =	strace $0x90000047  }
0x98: {  	s0 =	stileid.u32;
	[bflag:$0x2] =	sbarrier.arrive $0xFFFF  }
0x99: {  	p0 =	sne.s32 s0, $0x0;
	s0 =	rddreg [dreg:$0x2]  }
0x9a: {  	s0 =	sadd.s32 @!p0 $0x100000, s0  }
0x9b: {  	[sflag:s0] =	ssyncadd.tile.s32 @!p0 $0x1;
	_ =	shalt  }
.Lfunc_end2:
_tile_overlayer_lowered:
.L_overlay_start_2:
0x9c: {  	(tag) =	ssettag $0x2  }
0x9d: {  	s0 =	rddreg [dreg:$0x0];
	s2 =	stileid.u32  }
0x9e: {  	s1 =	rddreg [dreg:$0x1];
	p0 =	sne.s32 s2, $0x0  }
0x9f: {  	s3 =	rddreg [dreg:$0x2];
	[bflag:$0x3] =	sbarrier.arrive $0xFFFF;
	s2 =	simm.s32 @!p0 $0x1C03  }
0xa0: {  	[timem:s3], [sflag:s2] =	dma.local @!p0 [hbm:s0], s1  }
0xa1: {  	s0 =	simm.s32 @!p0 $0x3  }
0xa2: {  	_ =	swait.ge @!p0 [sflag:s0], s1  }
0xa3: {  	s1 =	ssub.s32 @!p0 $0x0, s1;
	[sflag:s0] =	ssyncset.done @!p0 $0x0  }
0xa4: {  	[sflag:s0] =	ssyncadd.s32 @!p0 s1  }
0xa5: {  	[bflag:$0x3] =	sbarrier.arrive $0xFFFF  }
0xa6: {  	_ =	shalt  }

// kernel: sparse-core-data-format-call.cloned.1.call-start
scs
called_computation_lowered:
.L_overlay_start_0:
0x0: {  	s2 =	sld [smem:$0x3FD9]  }
0x1: {  	s3 =	sld [smem:$0x3FFE];
	_ =	sdelay $0x1  }
0x2: {  	s1 =	srdreg.scid  }
0x3: {  	s0 =	sand.u32 $0x1, s1  }
0x4: {  	s18 =	sshll.u32 s0, $0xA;
	s2 =	sadd.s32 s3, s2  }
0x5: {  	s2 =	sadd.s32 s2, s18  }
0x6: {  	[smem:$0x3FC6] =	sst s2  }
0x7: {  	_ = 	snop  }
0x8: {  	s2 =	sld [smem:$0x3FD0];
	(tm) =	ssettm $0x1  }
0x9: {  	s19 =	sld [smem:$0x3FFB];
	_ =	sdelay $0x3  }
0xa: {  	_ =	strace s19  }
0xb: {  	s3 =	sld [smem:$0x3FFC];
	_ =	sdelay $0x3  }
0xc: {  	_ =	strace s3  }
0xd: {  	s3 =	sld [smem:$0x3FFD];
	_ =	sdelay $0x3  }
0xe: {  	_ =	strace s3  }
0xf: {  	_ =	strace $0x8FFFFFFF  }
0x10: {  	s20 =	sld [smem:$0x3FDB];
	_ =	sdelay $0x1  }
0x11: {  	s4 =	simm.s32 $_scs_section_size  }
0x12: {  	s5 =	simm.s32 $_size__tile_overlayer_lowered;
	s6 =	simm.s32 $_tile_overlayer_lowered  }
0x13: {  	s23 =	simm.s32 $0x1BFF;
	s22 =	sshll.u32 s6, $0x1;
	s3 =	sadd.s32 s4, s20  }
0x14: {  	s7 =	simm.s32 $0x0;
	s21 =	sshll.u32 s5, $0x1;
	s5 =	sadd.s32 s22, s3  }
0x15: {  	[timem:s7], [sflag:s23] =	dma.local [hbm:s5], s21  }
0x16: {  	_ =	swait.ge [sflag:s23], s21  }
0x17: {  	s4 =	ssub.s32 $0x0, s21;
	[sflag:s23] =	ssyncset.done $0x0  }
0x18: {  	[sflag:s23] =	ssyncadd.s32 s4;
	_ =	sdelay $0x1  }
0x19: {  	s24 =	simm.s32 $0x1B8B  }
0x1a: {  	_ =	swait.ge [sflag:s24], $0x1  }
0x1b: {  	[sflag:s24] =	ssyncset.done $0x0  }
0x1c: {  	s26 =	simm.s32 $0x1B8E;
	s25 =	sld [smem:$0x3FFE];
	[sflag:s24] =	ssyncadd.s32 $0xFFFFFFFF  }
0x1d: {  	s27 =	simm.s32 $execute0_lowered;
	[smem:$0x3FD2] =	sst s26  }
0x1e: {  	s5 =	sshll.u32 s27, $0x1;
	_ =	strace $0x80000049;
	[dreg:$0x1] =	wrdreg $0xFFFFFFFF  }
0x1f: {  	s28 =	simm.s32 $_size_execute0_lowered;
	s3 =	sadd.s32 s3, s5;
	[dreg:$0x0] =	wrdreg $0x0  }
0x20: {  	s5 =	sshll.u32 s28, $0x1;
	[dreg:$0x2] =	wrdreg s3  }
0x21: {  	[dreg:$0x3] =	wrdreg s5  }
0x22: {  	[dreg:$0x4] =	wrdreg $0xC0  }
0x23: {  	_ =	task [dreg:s7], $0x5FFFF  }
0x24: {  	[dreg:$0x1] =	wrdreg $0xFFFFFFFF  }
0x25: {  	[dreg:$0x0] =	wrdreg $0x60  }
0x26: {  	[dreg:$0x2] =	wrdreg s25  }
0x27: {  	[dreg:$0x3] =	wrdreg s2  }
0x28: {  	[dreg:$0x4] =	wrdreg $0x9  }
0x29: {  	_ =	task.clear_ibuf [dreg:s7], $0x5FFFF;
	_ =	strace $0x90000049  }
0x2a: {  	s29 =	simm.s32 $0x9;
	_ =	strace $0x8000004B  }
0x2b: {  	_ =	swait.ge [sflag:s29], $0x1  }
0x2c: {  	[sflag:s29] =	ssyncadd.s32 $0xFFFFFFFF  }
0x2d: {  	_ =	strace $0x9000004B  }
0x2e: {  	_ =	sfence  }
0x2f: {  	s30 =	sld [smem:$0x0];
	_ =	sdelay $0x2  }
0x30: {  	s31 =	sshll.u32 s1, $0xD;
	s1 =	sshrl.u32 s1, $0x2  }
0x31: {  	s3 =	sand.u32 $0x4000, s31;
	s1 =	sadd.s32 s1, s30  }
0x32: {  	s0 =	sor.u32 s3, s0;
	s1 =	sshll.u32 s1, $0x11  }
0x33: {  	s0 =	sor.u32 s1, s0  }
0x34: {  	s0 =	sadd.s32 $0x8F2B, s0  }
0x35: {  	[sflag:s0] =	ssyncadd.remote.s32 $0x1  }
0x36: {  	_ =	sfence.sel $0xFFFF  }
0x37: {  	[dreg:$0x0] =	wrdreg $0xFFFFFFFF;
	(pc) =	sbr.abs _section_cstart, $3  }
0x38: {  	[dreg:$0x1] =	wrdreg $0xFFFFFFFF  }
0x39: {  	_ =	task.clear_ibuf [dreg:s7], $0x2FFFF;
	_ =	strace $0x9FFFFFFF  }
0x3a: {  	(tm) =	ssettm $0x7FFFFFFF  }
0x3b: {  	_ =	shalt  }
tec
execute0_lowered:
.L_overlay_start_1:
0x0: {  	(tag) =	ssettag $0x1  }
0x1: {  	s0 =	srdreg.scid  }
0x2: {  	s1 =	sshll.u32 s0, $0x4  }
0x3: {  	s6 =	rddreg [dreg:$0x0];
	s0 =	stileid.u32;
	s1 =	sand.u32 $0x10, s1  }
0x4: {  	s3 =	rddreg [dreg:$0x1];
	s1 =	sor.u32 s0, s1  }
0x5: {  	s5 =	simm.s32 $0x1;
	s31 =	simm.s32 $0x2;
	s2 =	sshll.u32 s1, $0x7  }
0x6: {  	s15 =	simm.s32 $0x0;
	s8 =	simm.s32 $0xC8000;
	s4 =	ssub.s32 $0x1000, s2  }
0x7: {  	s14 =	simm.s32 $0x0;
	s9 =	simm.s32 $0x0;
	s30 =	sand.u32 $0xF80, s4  }
0x8: {  	s10 =	simm.s32 $0x0;
	s11 =	simm.s32 $0x0;
	p0 =	sne.s32 s30, $0x0  }
.Ltmp0:
0x9: {  	s7 =	sshrl.u32 s4, $0xC;
	s5 =	simm.s32 @!p0 $0x0;
	(pc) =	sbr.rel .LBB1_1-.Ltmp0, $4  }
0xa: {  	s13 =	simm.s32 $0x0;
	s1 =	rddreg [dreg:$0x2];
	s5 =	sadd.s32 s5, s7  }
0xb: {  	_ =	strace $0x8000004A;
	s4 =	simm.s32 $0x1;
	s5 =	smul.u32 $0xC8, s5  }
0xc: {  	s6 =	sadd.s32 $0xA00, s6;
	s12 =	smov.u32 s2;
	[sflag:s4] =	ssyncpa.u1 $0x0  }
0xd: {  	[sflag:s31] =	ssyncpa.u1 $0x0;
	p0 =	por $0x0, $0x0;
	s7 =	sor.u32 $0x1, s5  }
.LBB1_4:
0xe: {  	s20 =	sshra.s32 s20, $0x2;
	s27 =	sshll.u32 s9, $0xC  }
0xf: {  	s21 =	sand.u32 $0x78, s10;
	s22 =	sshll.u32 s10, $0x3;
	s24 =	sshll.u32 s9, $0x7  }
0x10: {  	p1 =	sgt.s32 s9, $0xC7;
	s30 =	sshra.s32 s9, $0x1F;
	s25 =	sshra.s32 s10, $0x1F  }
0x11: {  	s19 =	sadd.s32 s20, s19;
	s20 =	sand.u32 $0xFFFF8000, s27;
	s23 =	sand.u32 $0xFFFFFC00, s22  }
0x12: {  	v5 =	vld [tilespmem:s17+$0xFFFFFFD0];
	[tilespmem:s18+$0x2040 ss:$0x81] =	vst.msk $0xffff, v4;
	s22 =	sand.u32 $0xC00, s22;
	s28 =	sand.u32 $0x380, s24;
	s31 =	sand.u32 s30, s9  }
0x13: {  	v58 =	vld [tilespmem:s17+$0xFFFFFFE0];
	[tilespmem:s18+$0x2850 ss:$0x81] =	vst.msk $0xffff, v3;
	s24 =	smov.u32 s10;
	s25 =	sand.u32 s25, s10;
	s20 =	sadd.s32 s23, s20  }
0x14: {  	v59 =	vld [tilespmem:s17+$0xFFFFFFF0];
	[tilespmem:s18+$0x3060 ss:$0x81] =	vst.msk $0xffff, v2;
	s21 =	sor.u32 s21, s22;
	s22 =	smov.u32 s9;
	s20 =	sshrl.u32 s20, $0xC  }
0x15: {  	v60 =	vld [tilespmem:s17+$0x0];
	[tilespmem:s18+$0x0 ss:$0x81] =	vst.msk $0xffff, v1;
	s22 =	simm.s32 @!p1 $0xC7;
	p1 =	sgt.s32 s10, $0xF80;
	s29 =	smulhi.u32 $0x147AE15, s20  }
0x16: {  	v61 =	vld [tilespmem:s17+$0x10];
	[tilespmem:s19+$0x3870 ss:$0x81] =	vst.msk $0xffff, v0;
	s21 =	sor.u32 s28, s21;
	s18 =	ssub.s32 s22, s31;
	s24 =	simm.s32 @!p1 $0xF80  }
0x17: {  	v62 =	vld [tilespmem:s17+$0x20];
	[tilespmem:s19+$0x810 ss:$0x81] =	vst.msk $0xffff, v5;
	s22 =	ssub.s32 s24, s25;
	s26 =	ssub.s32 $0xC8, s18;
	s23 =	smul.u32 $0xC8, s29  }
0x18: {  	v63 =	vld [tilespmem:s17+$0xFFFFFFC0];
	[tilespmem:s19+$0x1020 ss:$0x81] =	vst.msk $0xffff, v58;
	s27 =	sadd.s32 $0xFFFFFF39, s18;
	s18 =	smul.u32 $0x64, s26;
	s28 =	sadd.s32 $0xFFFFF080, s22  }
0x19: {  	[tilespmem:s19+$0x1830 ss:$0x81] =	vst.msk $0xffff, v59;
	p1 =	sgt.s32 s27, $0x0;
	s17 =	ssub.s32 $0x1000, s22;
	p2 =	sgt.s32 s28, $0x7F  }
0x1a: {  	s30 =	sand.u32 $0x7, s10;
	[tilespmem:s19+$0x2040 ss:$0x81] =	vst.msk $0xffff, v60;
	s18 =	simm.s32 @p1 $0x0;
	s17 =	simm.s32 @p2 $0x0  }
0x1b: {  	[tilespmem:s19+$0x2850 ss:$0x81] =	vst.msk $0xffff, v61;
	s29 =	sshrl.u32 s21, $0x3;
	s20 =	ssub.s32 s20, s23;
	s17 =	smul.u32 s17, s18  }
0x1c: {  	[tilespmem:s19+$0x3060 ss:$0x81] =	vst.msk $0xffff, v62;
	s21 =	sshll.u32 s30, $0x12;
	s20 =	sshll.u32 s20, $0x9;
	s18 =	sadd.s32 s3, s29  }
0x1d: {  	[tilespmem:s19+$0x0 ss:$0x81] =	vst.msk $0xffff, v63;
	s31 =	sor.u32 $0x80, s21;
	s18 =	sadd.s32 s20, s18;
	s17 =	sand.u32 $0x3FFFFFFC, s17  }
0x1e: {  	[hbm4b:s18+s31] =	stream.strided.scatter [tilespmem:s16], [sflag:$0x2], s17, s8, s31, $0x20;
	[tilespmem:$0x10100] =	vst v63  }
.LBB1_5:
0x1f: {  	p1 =	slt.u32 s13, $0x2  }
0x20: {  	s17 =	smov.u32 s15;
	p2 =	sgt.s32 @!p1 s15, $0xC7;
	s16 =	sshra.s32 @!p1 s15, $0x1F  }
0x21: {  	p3 =	sgt.s32 @!p1 s14, $0xF80;
	s18 =	sshra.s32 @!p1 s14, $0x1F;
	p2 =	por !p2, p1  }
0x22: {  	s15 =	sand.u32 @!p1 s16, s15;
	p3 =	por !p3, p1;
	s16 =	smov.u32 s14  }
0x23: {  	s14 =	sand.u32 @!p1 s18, s14;
	s17 =	simm.s32 @p2 $0xC7;
	s16 =	simm.s32 @p3 $0xF80  }
0x24: {  	s18 =	smov.u32 s12;
	s15 =	ssub.s32 @!p1 s17, s15;
	s14 =	ssub.s32 @!p1 s16, s14  }
0x25: {  	s16 =	sadd.s32 @!p1 $0xFFFFFF39, s15;
	s15 =	ssub.s32 @!p1 $0xC8, s15;
	s17 =	sadd.s32 @!p1 $0xFFFFF080, s14  }
0x26: {  	p2 =	sgt.s32 @!p1 s16, $0x0;
	s15 =	smul.u32 @!p1 $0x64, s15;
	p3 =	sgt.s32 @!p1 s17, $0x7F  }
0x27: {  	s14 =	ssub.s32 @!p1 $0x1000, s14;
	p2 =	por !p2, p1;
	p3 =	por !p3, p1  }
0x28: {  	s16 =	sadd.s32 $0x1, s11;
	s15 =	simm.s32 @!p2 $0x0;
	s14 =	simm.s32 @!p3 $0x0  }
0x29: {  	p2 =	sgt.s32 s16, $0xC7;
	s14 =	smul.u32 @!p1 s14, s15;
	s15 =	sadd.s32 $0x1000, s12  }
0x2a: {  	s18 =	smov.u32 @p2 s15  }
0x2b: {  	s16 =	simm.s32 @p2 $0x0;
	p2 =	sgt.s32 s18, $0xFFF  }
0x2c: {  	s18 =	smov.u32 @p2 s2;
	p2 =	sne.s32 s13, s7  }
.Ltmp1:
0x2d: {  	p0 =	por !p0, !p0;
	s17 =	simm.s32 @!p1 $0x2;
	(pc) =	sbr.rel @!p2 .LBB1_6-.Ltmp1, $4  }
0x2e: {  	s15 =	smov.u32 s9;
	s9 =	smov.u32 s11;
	s14 =	sand.u32 @!p1 $0x3FFFFFFC, s14  }
0x2f: {  	s11 =	smov.u32 s16;
	_ =	swait.ge @!p1 [sflag:s17], s14;
	s19 =	ssub.s32 @!p1 $0x0, s14  }
0x30: {  	s14 =	smov.u32 s10;
	s13 =	sadd.s32 $0x1, s13;
	[sflag:s17] =	ssyncset.done @!p1 $0x0  }
0x31: {  	s10 =	smov.u32 s12;
	s12 =	smov.u32 s18;
	[sflag:s17] =	ssyncadd.s32 @!p1 s19  }
.LBB1_1:
0x32: {  	p1 =	sge.u32 s13, s5  }
0x33: {  	s16 =	sand.u32 @!p1 $0x1FFFFFF, s11  }
0x34: {  	s17 =	smulhi.u32 @!p1 $0x147AE15, s16;
	_ =	sdelay $0x1  }
0x35: {  	s17 =	smul.u32 @!p1 $0xC8, s17  }
0x36: {  	s18 =	sxor.u32 @!p1 $0xFFFFFFFF, s13;
	s19 =	smul.u32 @!p1 $0xC80, s12  }
0x37: {  	s31 =	sadd.s32 $0xFFFFFFFF, s13;
	s18 =	sshll.u32 @!p1 s18, $0xE;
	s16 =	ssub.s32 @!p1 s16, s17  }
0x38: {  	s17 =	sand.u32 @!p1 $0x4000, s18;
	s18 =	sadd.s32 @!p1 s6, s19;
	s16 =	sshll.u32 @!p1 s16, $0x4  }
0x39: {  	s19 =	simm.s32 @!p1 $0x6400;
	s16 =	sadd.s32 @!p1 s16, s18;
	s18 =	simm.s32 @!p1 $0x80  }
0x3a: {  	[tilespmem:s17], [sflag:$0x1] =	stream.strided.gather @!p1 [hbm4b:s16+s18], $0x4000, s19, s18, $0x38;
	[tilespmem:$0x10100] =	vst v63  }
0x3b: {  	p1 =	sge.u32 s31, s5  }
.Ltmp2:
0x3c: {  	_ = 	snop;
	(pc) =	sbr.rel @p1 .LBB1_5-.Ltmp2, $1  }
0x3d: {  	_ =	sdelay $0x3  }
0x3e: {  	s16 =	simm.s32 $0x1  }
0x3f: {  	_ =	swait.ge [sflag:s4], $0x4000;
	s16 =	simm.s32 @!p0 $0x0  }
0x40: {  	[sflag:s4] =	ssyncset.done $0x0;
	s17 =	sshll.u32 s16, $0xE  }
0x41: {  	[sflag:s4] =	ssyncadd.s32 $0xFFFFC000;
	s17 =	sor.u32 $0x40, s17  }
0x42: {  	s16 =	smul.u32 $0x10200, s16;
	v0 =	vld [tilespmem:s17+$0x30]  }
0x43: {  	v1 =	vld [tilespmem:s17+$0xFFFFFFD0]  }
0x44: {  	s16 =	sshrl.u32 s16, $0x2;
	v5 =	vld [tilespmem:s17+$0xFFFFFFE0]  }
0x45: {  	v6 =	vld [tilespmem:s17+$0xFFFFFFF0];
	s19 =	sor.u32 $0x8000, s16  }
0x46: {  	s31 =	sand.u32 $0x1, s13;
	v4 =	vld [tilespmem:s17+$0x0];
	s18 =	sadd.s32 $0x0, s19  }
0x47: {  	v3 =	vld [tilespmem:s17+$0x10];
	s16 =	smul.u32 $0x10200, s31;
	[tilespmem:s18+$0x3870 ss:$0x81] =	vst.msk $0xffff, v0  }
0x48: {  	v2 =	vld [tilespmem:s17+$0x20];
	[tilespmem:s18+$0x810 ss:$0x81] =	vst.msk $0xffff, v1  }
0x49: {  	s16 =	sshrl.u32 s16, $0x2;
	v1 =	vld [tilespmem:s17+$0xFFFFFFC0];
	[tilespmem:s18+$0x1020 ss:$0x81] =	vst.msk $0xffff, v5;
	s17 =	sadd.s32 $0x80, s17  }
0x4a: {  	s20 =	simm.s32 $0x4;
	s21 =	simm.s32 $0x8;
	s16 =	sor.u32 $0x8000, s16;
	[tilespmem:s18+$0x1830 ss:$0x81] =	vst.msk $0xffff, v6;
	v0 =	vld [tilespmem:s17+$0x30]  }
.LBB1_3:
0x4b: {  	p1 =	sne.s32 s21, $0x1FC;
	v5 =	vld [tilespmem:s17+$0xFFFFFFD0];
	[tilespmem:s18+$0x2040 ss:$0x81] =	vst.msk $0xffff, v4  }
0x4c: {  	v6 =	vld [tilespmem:s17+$0xFFFFFFE0];
	[tilespmem:s18+$0x2850 ss:$0x81] =	vst.msk $0xffff, v3  }
0x4d: {  	s22 =	sshra.s32 s20, $0x2;
	s20 =	smov.u32 s21;
	v7 =	vld [tilespmem:s17+$0xFFFFFFF0];
	[tilespmem:s18+$0x3060 ss:$0x81] =	vst.msk $0xffff, v2  }
.Ltmp3:
0x4e: {  	v4 =	vld [tilespmem:s17+$0x0];
	[tilespmem:s18+$0x0 ss:$0x81] =	vst.msk $0xffff, v1;
	s18 =	sadd.s32 s22, s19;
	(pc) =	sbr.rel @p1 .LBB1_3-.Ltmp3, $4  }
0x4f: {  	v3 =	vld [tilespmem:s17+$0x10];
	[tilespmem:s18+$0x3870 ss:$0x81] =	vst.msk $0xffff, v0  }
0x50: {  	[tilespmem:s18+$0x810 ss:$0x81] =	vst.msk $0xffff, v5;
	v2 =	vld [tilespmem:s17+$0x20]  }
0x51: {  	v1 =	vld [tilespmem:s17+$0xFFFFFFC0];
	[tilespmem:s18+$0x1020 ss:$0x81] =	vst.msk $0xffff, v6;
	s17 =	sadd.s32 $0x80, s17  }
0x52: {  	s21 =	sadd.s32 $0x4, s21;
	v0 =	vld [tilespmem:s17+$0x30];
	[tilespmem:s18+$0x1830 ss:$0x81] =	vst.msk $0xffff, v7  }
.Ltmp4:
0x53: {  	_ = 	snop;
	(pc) =	sbr.rel .LBB1_4-.Ltmp4, $1  }
0x54: {  	_ =	sdelay $0x3  }
.LBB1_6:
0x55: {  	_ =	sfence.sel $0x180000  }
0x56: {  	s2 =	simm.s32 $0x1;
	[bflag:$0x0] =	sbarrier.arrive $0xFFFF  }
0x57: {  	s31 =	simm.s32 $0x2;
	[sflag:s2] =	ssyncpa.u1 $0x1  }
0x58: {  	[sflag:s31] =	ssyncpa.u1 $0x1  }
0x59: {  	p0 =	sne.s32 s0, $0x0;
	_ =	strace $0x9000004A  }
0x5a: {  	s0 =	sadd.s32 @!p0 $0x100000, s1;
	[bflag:$0x2] =	sbarrier.arrive $0xFFFF  }
0x5b: {  	[sflag:s0] =	ssyncadd.tile.s32 @!p0 $0x1;
	_ =	shalt  }
.Lfunc_end1:
_tile_overlayer_lowered:
.L_overlay_start_2:
0x5c: {  	(tag) =	ssettag $0x2  }
0x5d: {  	s0 =	rddreg [dreg:$0x0];
	s2 =	stileid.u32  }
0x5e: {  	s1 =	rddreg [dreg:$0x1];
	p0 =	sne.s32 s2, $0x0  }
0x5f: {  	s3 =	rddreg [dreg:$0x2];
	[bflag:$0x3] =	sbarrier.arrive $0xFFFF;
	s2 =	simm.s32 @!p0 $0x1C01  }
0x60: {  	[timem:s3], [sflag:s2] =	dma.local @!p0 [hbm:s0], s1  }
0x61: {  	s0 =	simm.s32 @!p0 $0x1  }
0x62: {  	_ =	swait.ge @!p0 [sflag:s0], s1  }
0x63: {  	s1 =	ssub.s32 @!p0 $0x0, s1;
	[sflag:s0] =	ssyncset.done @!p0 $0x0  }
0x64: {  	[sflag:s0] =	ssyncadd.s32 @!p0 s1  }
0x65: {  	[bflag:$0x3] =	sbarrier.arrive $0xFFFF  }
0x66: {  	_ =	shalt  }

</sc_bundles>
